<compile_context>
chip_gen: v7x
topology: tpu7x:2x2x1
jax: 0.10.2.dev20260603
libtpu: 0.0.44.dev20260713+nightly
codegen_flags: <defaults>
</compile_context>

<pallas_src>
import dataclasses

import jax
import jax.numpy as jnp
from jax import lax
from jax.experimental import pallas as pl
from jax.experimental.pallas import tpu as pltpu
from jax.experimental.pallas import tpu_sc as plsc

CACHE = 1_000_000
S = 16384
NC = 2
NS = 16
NW = NC * NS
GROUPS = S // 16
SENT = 2**30

CPW = 31256
B_LAST = (NW - 1) * CPW
N_LAST = CACHE - B_LAST


def _tc_dedup(idx_ref, out_ref):
    x = idx_ref[...]
    lane = lax.broadcasted_iota(jnp.int32, (128, 128), 1) % 16
    dup = jnp.zeros((128, 128), dtype=jnp.bool_)
    for sh in range(1, 16):
        y = pltpu.roll(x, 128 - sh, 1)
        dup = dup | ((y == x) & (lane < 16 - sh))
    out_ref[...] = jnp.where(dup, SENT, x)


def _sc_scatter(idx_hbm, val_hbm, cache_hbm, out_hbm, idx_v, val_v, buf,
                idx_sh, val_sh, sem_i, sem_v, sem_b):
    c = lax.axis_index("c")
    s = lax.axis_index("s")
    w = s * NC + c
    b = w * CPW
    n = jnp.where(w == NW - 1, N_LAST, CPW).astype(jnp.uint32)

    @pl.when(w < NW - 1)
    def _():
        pltpu.async_copy(cache_hbm.at[pl.ds(b, CPW)], buf, sem_b)

    @pl.when(w == NW - 1)
    def _():
        pltpu.async_copy(cache_hbm.at[pl.ds(B_LAST, N_LAST)],
                         buf.at[pl.ds(0, N_LAST)], sem_b)

    part = pl.ds(s * (S // NS), S // NS)
    pltpu.async_copy(idx_hbm.at[part], idx_sh.at[part], sem_i)
    pltpu.async_copy(val_hbm.at[part], val_sh.at[part], sem_v)
    pltpu.make_async_copy(idx_hbm.at[part], idx_sh.at[part], sem_i).wait()
    pltpu.make_async_copy(val_hbm.at[part], val_sh.at[part], sem_v).wait()
    plsc.subcore_barrier()

    pltpu.async_copy(idx_sh, idx_v, sem_i)
    pltpu.async_copy(val_sh, val_v, sem_v)
    pltpu.make_async_copy(idx_sh, idx_v, sem_i).wait()
    pltpu.make_async_copy(val_sh, val_v, sem_v).wait()

    @pl.when(w < NW - 1)
    def _():
        pltpu.make_async_copy(cache_hbm.at[pl.ds(b, CPW)], buf, sem_b).wait()

    @pl.when(w == NW - 1)
    def _():
        pltpu.make_async_copy(cache_hbm.at[pl.ds(B_LAST, N_LAST)],
                              buf.at[pl.ds(0, N_LAST)], sem_b).wait()

    @pl.loop(0, GROUPS, step=16)
    def _(g0):
        locs = []
        for t in range(16):
            sl = pl.ds((g0 + t) * 16, 16)
            loc = idx_v[sl] - b
            locs.append((sl, loc, plsc.bitcast(loc, jnp.uint32) < n))
        for sl, loc, inr in locs:
            plsc.store_scatter(buf, [loc], val_v[sl], mask=inr)

    @pl.when(w < NW - 1)
    def _():
        pltpu.sync_copy(buf, out_hbm.at[pl.ds(b, CPW)])

    @pl.when(w == NW - 1)
    def _():
        pltpu.sync_copy(buf.at[pl.ds(0, N_LAST)],
                        out_hbm.at[pl.ds(B_LAST, N_LAST)])


def kernel(input_pos, values, cache):
    idx2 = input_pos.astype(jnp.int32).reshape(128, 128)
    idx_d = pl.pallas_call(
        _tc_dedup,
        out_shape=jax.ShapeDtypeStruct((128, 128), jnp.int32),
    )(idx2)
    idx_flat = idx_d.reshape(S)

    mesh = plsc.VectorSubcoreMesh(core_axis_name="c", subcore_axis_name="s",
                                  num_cores=NC, num_subcores=NS)
    cp = pltpu.CompilerParams()
    if "needs_layout_passes" in pltpu.CompilerParams.__dataclass_fields__:
        cp = dataclasses.replace(cp, needs_layout_passes=False)
    run = pl.kernel(
        _sc_scatter,
        out_type=jax.ShapeDtypeStruct((CACHE,), jnp.float32),
        mesh=mesh,
        scratch_types=[
            pltpu.VMEM((S,), jnp.int32),
            pltpu.VMEM((S,), jnp.float32),
            pltpu.VMEM((CPW,), jnp.float32),
            pltpu.VMEM_SHARED((S,), jnp.int32),
            pltpu.VMEM_SHARED((S,), jnp.float32),
            pltpu.SemaphoreType.DMA,
            pltpu.SemaphoreType.DMA,
            pltpu.SemaphoreType.DMA,
        ],
        compiler_params=cp,
    )
    return run(idx_flat, values, cache)

# --- scband reference (transcript-rebuilt; emitter-appended) ---
"""Pipeline reference for scband-simple-cache-60576218743134 (READ-ONLY COPY).

The authoritative reference and input builder live on the scoring server;
editing this copy changes nothing except your own understanding.
"""

import jax, jax.numpy as jnp
import numpy as np

CACHE_SIZE = 1000000
S = 16384

def setup_inputs(seed: int = 0) -> dict:
    key = jax.random.key(seed)
    k1, k2 = jax.random.split(key)
    input_pos = jax.random.randint(k1, (S,), 0, CACHE_SIZE, dtype=jnp.int64 if jax.config.jax_enable_x64 else jnp.int32)
    values = jax.random.normal(k2, (S,), dtype=jnp.float32)
    cache = jnp.zeros((CACHE_SIZE,), dtype=jnp.float32)
    return {"input_pos": input_pos, "values": values, "cache": cache}

def reference(input_pos, values, cache):
    # torch.ops.aten.index_put_(cache, [input_pos], values) -> scatter-overwrite
    assert input_pos.shape[0] == values.shape[0]
    new_cache = cache.at[input_pos].set(values)
    return new_cache

if __name__ == "__main__":
    import jax
    _d = setup_inputs()
    print(jax.jit(kernel)(*tuple(_d.values())))

</pallas_src>

<mosaic_0001>
#map = affine_map<(d0, d1) -> (0)>
module attributes {stable_mosaic.version = 14 : i64} {
  func.func @_sc_scatter(%arg0: i32, %arg1: i32, %arg2: memref<16384xi32, #tpu.memory_space<hbm>>, %arg3: memref<16384xf32, #tpu.memory_space<hbm>>, %arg4: memref<1000000xf32, #tpu.memory_space<hbm>>, %arg5: memref<1000000xf32, #tpu.memory_space<hbm>>, %arg6: memref<16384xi32, #tpu.memory_space<vmem>>, %arg7: memref<16384xf32, #tpu.memory_space<vmem>>, %arg8: memref<31256xf32, #tpu.memory_space<vmem>>, %arg9: memref<16384xi32, #tpu.memory_space<vmem_shared>>, %arg10: memref<16384xf32, #tpu.memory_space<vmem_shared>>, %arg11: memref<!tpu.dma_semaphore, #tpu.memory_space<semaphore_mem>>, %arg12: memref<!tpu.dma_semaphore, #tpu.memory_space<semaphore_mem>>, %arg13: memref<!tpu.dma_semaphore, #tpu.memory_space<semaphore_mem>>) attributes {dimension_semantics = [#tpu.dimension_semantics<core_parallel>, #tpu.dimension_semantics<subcore_parallel>], iteration_bounds = array<i64: 2, 16>, scalar_prefetch = 0 : i64, scratch_operands = 8 : i64, tpu.core_type = #tpu.core_type<sc_vector_subcore>, window_params = [{transform_indices = #map}, {transform_indices = #map}, {transform_indices = #map}, {transform_indices = #map}]} {
    %mul3A = arith.constant 2 : i32
    %mul3A_0 = arith.muli %arg1, %mul3A : i32
    %add3A = arith.addi %mul3A_0, %arg0 : i32
    %mul3A_1 = arith.constant 31256 : i32
    %mul3A_2 = arith.muli %add3A, %mul3A_1 : i32
    %eq3A = arith.constant 31 : i32
    %eq3A_3 = arith.cmpi eq, %add3A, %eq3A : i32
    %jit3A = arith.constant 31064 : i32
    %jit3A_4 = arith.constant 31256 : i32
    %select_n3A = arith.select %eq3A_3, %jit3A, %jit3A_4 : i32
    %lt3A = arith.constant 31 : i32
    %lt3A_5 = arith.cmpi slt, %add3A, %lt3A : i32
    %convert_element_type3A = arith.extui %lt3A_5 : i1 to i32
    %cond3A = arith.constant 0 : i32
    %cond3A_6 = arith.cmpi ne, %convert_element_type3A, %cond3A : i32
    scf.if %cond3A_6 {
      %dma_start3A_44 = tpu.memref_slice %arg4[%mul3A_2] : memref<1000000xf32, #tpu.memory_space<hbm>> -> memref<31256xf32, #tpu.memory_space<hbm>>
      %dma_start3A_45 = tpu.memref_slice %arg4[%mul3A_2] : memref<1000000xf32, #tpu.memory_space<hbm>> -> memref<31256xf32, #tpu.memory_space<hbm>>
      tpu.enqueue_dma source(%dma_start3A_45 : memref<31256xf32, #tpu.memory_space<hbm>>) target(%arg8 : memref<31256xf32, #tpu.memory_space<vmem>>) target_semaphore(%arg13 : memref<!tpu.dma_semaphore, #tpu.memory_space<semaphore_mem>>)
    } else {
    }
    %eq3A_7 = arith.constant 31 : i32
    %eq3A_8 = arith.cmpi eq, %add3A, %eq3A_7 : i32
    %convert_element_type3A_9 = arith.extui %eq3A_8 : i1 to i32
    %cond3A_10 = arith.constant 0 : i32
    %cond3A_11 = arith.cmpi ne, %convert_element_type3A_9, %cond3A_10 : i32
    scf.if %cond3A_11 {
      %dma_start3A_44 = arith.constant 0 : i32
      %dma_start3A_45 = tpu.memref_slice %arg8[%dma_start3A_44] : memref<31256xf32, #tpu.memory_space<vmem>> -> memref<31064xf32, #tpu.memory_space<vmem>>
      %dma_start3A_46 = arith.constant 968936 : i32
      %dma_start3A_47 = tpu.memref_slice %arg4[%dma_start3A_46] : memref<1000000xf32, #tpu.memory_space<hbm>> -> memref<31064xf32, #tpu.memory_space<hbm>>
      %dma_start3A_48 = arith.constant 0 : i32
      %dma_start3A_49 = tpu.memref_slice %arg8[%dma_start3A_48] : memref<31256xf32, #tpu.memory_space<vmem>> -> memref<31064xf32, #tpu.memory_space<vmem>>
      %dma_start3A_50 = arith.constant 968936 : i32
      %dma_start3A_51 = tpu.memref_slice %arg4[%dma_start3A_50] : memref<1000000xf32, #tpu.memory_space<hbm>> -> memref<31064xf32, #tpu.memory_space<hbm>>
      tpu.enqueue_dma source(%dma_start3A_51 : memref<31064xf32, #tpu.memory_space<hbm>>) target(%dma_start3A_49 : memref<31064xf32, #tpu.memory_space<vmem>>) target_semaphore(%arg13 : memref<!tpu.dma_semaphore, #tpu.memory_space<semaphore_mem>>)
    } else {
    }
    %mul3A_12 = arith.constant 1024 : i32
    %mul3A_13 = arith.muli %arg1, %mul3A_12 : i32
    %dma_start3A = tpu.memref_slice %arg9[%mul3A_13] : memref<16384xi32, #tpu.memory_space<vmem_shared>> -> memref<1024xi32, #tpu.memory_space<vmem_shared>>
    %dma_start3A_14 = tpu.memref_slice %arg2[%mul3A_13] : memref<16384xi32, #tpu.memory_space<hbm>> -> memref<1024xi32, #tpu.memory_space<hbm>>
    tpu.enqueue_dma source(%dma_start3A_14 : memref<1024xi32, #tpu.memory_space<hbm>>) target(%dma_start3A : memref<1024xi32, #tpu.memory_space<vmem_shared>>) target_semaphore(%arg11 : memref<!tpu.dma_semaphore, #tpu.memory_space<semaphore_mem>>)
    %dma_start3A_15 = tpu.memref_slice %arg10[%mul3A_13] : memref<16384xf32, #tpu.memory_space<vmem_shared>> -> memref<1024xf32, #tpu.memory_space<vmem_shared>>
    %dma_start3A_16 = tpu.memref_slice %arg3[%mul3A_13] : memref<16384xf32, #tpu.memory_space<hbm>> -> memref<1024xf32, #tpu.memory_space<hbm>>
    tpu.enqueue_dma source(%dma_start3A_16 : memref<1024xf32, #tpu.memory_space<hbm>>) target(%dma_start3A_15 : memref<1024xf32, #tpu.memory_space<vmem_shared>>) target_semaphore(%arg12 : memref<!tpu.dma_semaphore, #tpu.memory_space<semaphore_mem>>)
    %dma_wait3A = tpu.memref_slice %arg9[%mul3A_13] : memref<16384xi32, #tpu.memory_space<vmem_shared>> -> memref<1024xi32, #tpu.memory_space<vmem_shared>>
    %dma_wait3A_17 = tpu.memref_slice %arg2[%mul3A_13] : memref<16384xi32, #tpu.memory_space<hbm>> -> memref<1024xi32, #tpu.memory_space<hbm>>
    tpu.wait_dma2 semaphore(%arg11 : memref<!tpu.dma_semaphore, #tpu.memory_space<semaphore_mem>>) src(%dma_wait3A_17 : memref<1024xi32, #tpu.memory_space<hbm>>) dst(%dma_wait3A : memref<1024xi32, #tpu.memory_space<vmem_shared>>)
    %dma_wait3A_18 = tpu.memref_slice %arg10[%mul3A_13] : memref<16384xf32, #tpu.memory_space<vmem_shared>> -> memref<1024xf32, #tpu.memory_space<vmem_shared>>
    %dma_wait3A_19 = tpu.memref_slice %arg3[%mul3A_13] : memref<16384xf32, #tpu.memory_space<hbm>> -> memref<1024xf32, #tpu.memory_space<hbm>>
    tpu.wait_dma2 semaphore(%arg12 : memref<!tpu.dma_semaphore, #tpu.memory_space<semaphore_mem>>) src(%dma_wait3A_19 : memref<1024xf32, #tpu.memory_space<hbm>>) dst(%dma_wait3A_18 : memref<1024xf32, #tpu.memory_space<vmem_shared>>)
    %barrier3A = arith.constant 0 : index
    tpu.barrier barrier_id(%barrier3A)
    tpu.enqueue_dma source(%arg9 : memref<16384xi32, #tpu.memory_space<vmem_shared>>) target(%arg6 : memref<16384xi32, #tpu.memory_space<vmem>>) target_semaphore(%arg11 : memref<!tpu.dma_semaphore, #tpu.memory_space<semaphore_mem>>)
    tpu.enqueue_dma source(%arg10 : memref<16384xf32, #tpu.memory_space<vmem_shared>>) target(%arg7 : memref<16384xf32, #tpu.memory_space<vmem>>) target_semaphore(%arg12 : memref<!tpu.dma_semaphore, #tpu.memory_space<semaphore_mem>>)
    tpu.wait_dma2 semaphore(%arg11 : memref<!tpu.dma_semaphore, #tpu.memory_space<semaphore_mem>>) src(%arg9 : memref<16384xi32, #tpu.memory_space<vmem_shared>>) dst(%arg6 : memref<16384xi32, #tpu.memory_space<vmem>>)
    tpu.wait_dma2 semaphore(%arg12 : memref<!tpu.dma_semaphore, #tpu.memory_space<semaphore_mem>>) src(%arg10 : memref<16384xf32, #tpu.memory_space<vmem_shared>>) dst(%arg7 : memref<16384xf32, #tpu.memory_space<vmem>>)
    %lt3A_20 = arith.constant 31 : i32
    %lt3A_21 = arith.cmpi slt, %add3A, %lt3A_20 : i32
    %convert_element_type3A_22 = arith.extui %lt3A_21 : i1 to i32
    %cond3A_23 = arith.constant 0 : i32
    %cond3A_24 = arith.cmpi ne, %convert_element_type3A_22, %cond3A_23 : i32
    scf.if %cond3A_24 {
      %dma_wait3A_44 = tpu.memref_slice %arg4[%mul3A_2] : memref<1000000xf32, #tpu.memory_space<hbm>> -> memref<31256xf32, #tpu.memory_space<hbm>>
      %dma_wait3A_45 = tpu.memref_slice %arg4[%mul3A_2] : memref<1000000xf32, #tpu.memory_space<hbm>> -> memref<31256xf32, #tpu.memory_space<hbm>>
      tpu.wait_dma2 semaphore(%arg13 : memref<!tpu.dma_semaphore, #tpu.memory_space<semaphore_mem>>) src(%dma_wait3A_45 : memref<31256xf32, #tpu.memory_space<hbm>>) dst(%arg8 : memref<31256xf32, #tpu.memory_space<vmem>>)
    } else {
    }
    %eq3A_25 = arith.constant 31 : i32
    %eq3A_26 = arith.cmpi eq, %add3A, %eq3A_25 : i32
    %convert_element_type3A_27 = arith.extui %eq3A_26 : i1 to i32
    %cond3A_28 = arith.constant 0 : i32
    %cond3A_29 = arith.cmpi ne, %convert_element_type3A_27, %cond3A_28 : i32
    scf.if %cond3A_29 {
      %dma_wait3A_44 = arith.constant 0 : i32
      %dma_wait3A_45 = tpu.memref_slice %arg8[%dma_wait3A_44] : memref<31256xf32, #tpu.memory_space<vmem>> -> memref<31064xf32, #tpu.memory_space<vmem>>
      %dma_wait3A_46 = arith.constant 968936 : i32
      %dma_wait3A_47 = tpu.memref_slice %arg4[%dma_wait3A_46] : memref<1000000xf32, #tpu.memory_space<hbm>> -> memref<31064xf32, #tpu.memory_space<hbm>>
      %dma_wait3A_48 = arith.constant 0 : i32
      %dma_wait3A_49 = tpu.memref_slice %arg8[%dma_wait3A_48] : memref<31256xf32, #tpu.memory_space<vmem>> -> memref<31064xf32, #tpu.memory_space<vmem>>
      %dma_wait3A_50 = arith.constant 968936 : i32
      %dma_wait3A_51 = tpu.memref_slice %arg4[%dma_wait3A_50] : memref<1000000xf32, #tpu.memory_space<hbm>> -> memref<31064xf32, #tpu.memory_space<hbm>>
      tpu.wait_dma2 semaphore(%arg13 : memref<!tpu.dma_semaphore, #tpu.memory_space<semaphore_mem>>) src(%dma_wait3A_51 : memref<31064xf32, #tpu.memory_space<hbm>>) dst(%dma_wait3A_49 : memref<31064xf32, #tpu.memory_space<vmem>>)
    } else {
    }
    %scan3A = arith.constant 0 : i32
    %scan3A_30 = arith.constant 64 : i32
    %scan3A_31 = arith.addi %scan3A, %scan3A_30 : i32
    %scan3A_32 = arith.constant 1 : i32
    scf.for %scan3A_44 = %scan3A to %scan3A_31 step %scan3A_32  : i32 {
      %mul3A_45 = arith.constant 16 : i32
      %mul3A_46 = arith.muli %scan3A_44, %mul3A_45 : i32
      %add3A_47 = arith.constant 0 : i32
      %add3A_48 = arith.addi %add3A_47, %mul3A_46 : i32
      %add3A_49 = arith.constant 0 : i32
      %add3A_50 = arith.addi %add3A_48, %add3A_49 : i32
      %mul3A_51 = arith.constant 16 : i32
      %mul3A_52 = arith.muli %add3A_50, %mul3A_51 : i32
      %get3A = arith.index_cast %mul3A_52 : i32 to index
      %get3A_53 = tpu.vector_load %arg6[%get3A] {strides = array<i32>} : memref<16384xi32, #tpu.memory_space<vmem>>, vector<16xi32>,
      %sub3A = vector.broadcast %mul3A_2 : i32 to vector<16xi32>
      %sub3A_54 = arith.subi %get3A_53, %sub3A : vector<16xi32>
      %bitcast3A = vector.bitcast %sub3A_54 : vector<16xi32> to vector<16xi32>
      %lt3A_55 = vector.broadcast %select_n3A : i32 to vector<16xi32>
      %lt3A_56 = arith.cmpi ult, %bitcast3A, %lt3A_55 : vector<16xi32>
      %add3A_57 = arith.constant 1 : i32
      %add3A_58 = arith.addi %add3A_48, %add3A_57 : i32
      %mul3A_59 = arith.constant 16 : i32
      %mul3A_60 = arith.muli %add3A_58, %mul3A_59 : i32
      %get3A_61 = arith.index_cast %mul3A_60 : i32 to index
      %get3A_62 = tpu.vector_load %arg6[%get3A_61] {strides = array<i32>} : memref<16384xi32, #tpu.memory_space<vmem>>, vector<16xi32>,
      %sub3A_63 = vector.broadcast %mul3A_2 : i32 to vector<16xi32>
      %sub3A_64 = arith.subi %get3A_62, %sub3A_63 : vector<16xi32>
      %bitcast3A_65 = vector.bitcast %sub3A_64 : vector<16xi32> to vector<16xi32>
      %lt3A_66 = vector.broadcast %select_n3A : i32 to vector<16xi32>
      %lt3A_67 = arith.cmpi ult, %bitcast3A_65, %lt3A_66 : vector<16xi32>
      %add3A_68 = arith.constant 2 : i32
      %add3A_69 = arith.addi %add3A_48, %add3A_68 : i32
      %mul3A_70 = arith.constant 16 : i32
      %mul3A_71 = arith.muli %add3A_69, %mul3A_70 : i32
      %get3A_72 = arith.index_cast %mul3A_71 : i32 to index
      %get3A_73 = tpu.vector_load %arg6[%get3A_72] {strides = array<i32>} : memref<16384xi32, #tpu.memory_space<vmem>>, vector<16xi32>,
      %sub3A_74 = vector.broadcast %mul3A_2 : i32 to vector<16xi32>
      %sub3A_75 = arith.subi %get3A_73, %sub3A_74 : vector<16xi32>
      %bitcast3A_76 = vector.bitcast %sub3A_75 : vector<16xi32> to vector<16xi32>
      %lt3A_77 = vector.broadcast %select_n3A : i32 to vector<16xi32>
      %lt3A_78 = arith.cmpi ult, %bitcast3A_76, %lt3A_77 : vector<16xi32>
      %add3A_79 = arith.constant 3 : i32
      %add3A_80 = arith.addi %add3A_48, %add3A_79 : i32
      %mul3A_81 = arith.constant 16 : i32
      %mul3A_82 = arith.muli %add3A_80, %mul3A_81 : i32
      %get3A_83 = arith.index_cast %mul3A_82 : i32 to index
      %get3A_84 = tpu.vector_load %arg6[%get3A_83] {strides = array<i32>} : memref<16384xi32, #tpu.memory_space<vmem>>, vector<16xi32>,
      %sub3A_85 = vector.broadcast %mul3A_2 : i32 to vector<16xi32>
      %sub3A_86 = arith.subi %get3A_84, %sub3A_85 : vector<16xi32>
      %bitcast3A_87 = vector.bitcast %sub3A_86 : vector<16xi32> to vector<16xi32>
      %lt3A_88 = vector.broadcast %select_n3A : i32 to vector<16xi32>
      %lt3A_89 = arith.cmpi ult, %bitcast3A_87, %lt3A_88 : vector<16xi32>
      %add3A_90 = arith.constant 4 : i32
      %add3A_91 = arith.addi %add3A_48, %add3A_90 : i32
      %mul3A_92 = arith.constant 16 : i32
      %mul3A_93 = arith.muli %add3A_91, %mul3A_92 : i32
      %get3A_94 = arith.index_cast %mul3A_93 : i32 to index
      %get3A_95 = tpu.vector_load %arg6[%get3A_94] {strides = array<i32>} : memref<16384xi32, #tpu.memory_space<vmem>>, vector<16xi32>,
      %sub3A_96 = vector.broadcast %mul3A_2 : i32 to vector<16xi32>
      %sub3A_97 = arith.subi %get3A_95, %sub3A_96 : vector<16xi32>
      %bitcast3A_98 = vector.bitcast %sub3A_97 : vector<16xi32> to vector<16xi32>
      %lt3A_99 = vector.broadcast %select_n3A : i32 to vector<16xi32>
      %lt3A_100 = arith.cmpi ult, %bitcast3A_98, %lt3A_99 : vector<16xi32>
      %add3A_101 = arith.constant 5 : i32
      %add3A_102 = arith.addi %add3A_48, %add3A_101 : i32
      %mul3A_103 = arith.constant 16 : i32
      %mul3A_104 = arith.muli %add3A_102, %mul3A_103 : i32
      %get3A_105 = arith.index_cast %mul3A_104 : i32 to index
      %get3A_106 = tpu.vector_load %arg6[%get3A_105] {strides = array<i32>} : memref<16384xi32, #tpu.memory_space<vmem>>, vector<16xi32>,
      %sub3A_107 = vector.broadcast %mul3A_2 : i32 to vector<16xi32>
      %sub3A_108 = arith.subi %get3A_106, %sub3A_107 : vector<16xi32>
      %bitcast3A_109 = vector.bitcast %sub3A_108 : vector<16xi32> to vector<16xi32>
      %lt3A_110 = vector.broadcast %select_n3A : i32 to vector<16xi32>
      %lt3A_111 = arith.cmpi ult, %bitcast3A_109, %lt3A_110 : vector<16xi32>
      %add3A_112 = arith.constant 6 : i32
      %add3A_113 = arith.addi %add3A_48, %add3A_112 : i32
      %mul3A_114 = arith.constant 16 : i32
      %mul3A_115 = arith.muli %add3A_113, %mul3A_114 : i32
      %get3A_116 = arith.index_cast %mul3A_115 : i32 to index
      %get3A_117 = tpu.vector_load %arg6[%get3A_116] {strides = array<i32>} : memref<16384xi32, #tpu.memory_space<vmem>>, vector<16xi32>,
      %sub3A_118 = vector.broadcast %mul3A_2 : i32 to vector<16xi32>
      %sub3A_119 = arith.subi %get3A_117, %sub3A_118 : vector<16xi32>
      %bitcast3A_120 = vector.bitcast %sub3A_119 : vector<16xi32> to vector<16xi32>
      %lt3A_121 = vector.broadcast %select_n3A : i32 to vector<16xi32>
      %lt3A_122 = arith.cmpi ult, %bitcast3A_120, %lt3A_121 : vector<16xi32>
      %add3A_123 = arith.constant 7 : i32
      %add3A_124 = arith.addi %add3A_48, %add3A_123 : i32
      %mul3A_125 = arith.constant 16 : i32
      %mul3A_126 = arith.muli %add3A_124, %mul3A_125 : i32
      %get3A_127 = arith.index_cast %mul3A_126 : i32 to index
      %get3A_128 = tpu.vector_load %arg6[%get3A_127] {strides = array<i32>} : memref<16384xi32, #tpu.memory_space<vmem>>, vector<16xi32>,
      %sub3A_129 = vector.broadcast %mul3A_2 : i32 to vector<16xi32>
      %sub3A_130 = arith.subi %get3A_128, %sub3A_129 : vector<16xi32>
      %bitcast3A_131 = vector.bitcast %sub3A_130 : vector<16xi32> to vector<16xi32>
      %lt3A_132 = vector.broadcast %select_n3A : i32 to vector<16xi32>
      %lt3A_133 = arith.cmpi ult, %bitcast3A_131, %lt3A_132 : vector<16xi32>
      %add3A_134 = arith.constant 8 : i32
      %add3A_135 = arith.addi %add3A_48, %add3A_134 : i32
      %mul3A_136 = arith.constant 16 : i32
      %mul3A_137 = arith.muli %add3A_135, %mul3A_136 : i32
      %get3A_138 = arith.index_cast %mul3A_137 : i32 to index
      %get3A_139 = tpu.vector_load %arg6[%get3A_138] {strides = array<i32>} : memref<16384xi32, #tpu.memory_space<vmem>>, vector<16xi32>,
      %sub3A_140 = vector.broadcast %mul3A_2 : i32 to vector<16xi32>
      %sub3A_141 = arith.subi %get3A_139, %sub3A_140 : vector<16xi32>
      %bitcast3A_142 = vector.bitcast %sub3A_141 : vector<16xi32> to vector<16xi32>
      %lt3A_143 = vector.broadcast %select_n3A : i32 to vector<16xi32>
      %lt3A_144 = arith.cmpi ult, %bitcast3A_142, %lt3A_143 : vector<16xi32>
      %add3A_145 = arith.constant 9 : i32
      %add3A_146 = arith.addi %add3A_48, %add3A_145 : i32
      %mul3A_147 = arith.constant 16 : i32
      %mul3A_148 = arith.muli %add3A_146, %mul3A_147 : i32
      %get3A_149 = arith.index_cast %mul3A_148 : i32 to index
      %get3A_150 = tpu.vector_load %arg6[%get3A_149] {strides = array<i32>} : memref<16384xi32, #tpu.memory_space<vmem>>, vector<16xi32>,
      %sub3A_151 = vector.broadcast %mul3A_2 : i32 to vector<16xi32>
      %sub3A_152 = arith.subi %get3A_150, %sub3A_151 : vector<16xi32>
      %bitcast3A_153 = vector.bitcast %sub3A_152 : vector<16xi32> to vector<16xi32>
      %lt3A_154 = vector.broadcast %select_n3A : i32 to vector<16xi32>
      %lt3A_155 = arith.cmpi ult, %bitcast3A_153, %lt3A_154 : vector<16xi32>
      %add3A_156 = arith.constant 10 : i32
      %add3A_157 = arith.addi %add3A_48, %add3A_156 : i32
      %mul3A_158 = arith.constant 16 : i32
      %mul3A_159 = arith.muli %add3A_157, %mul3A_158 : i32
      %get3A_160 = arith.index_cast %mul3A_159 : i32 to index
      %get3A_161 = tpu.vector_load %arg6[%get3A_160] {strides = array<i32>} : memref<16384xi32, #tpu.memory_space<vmem>>, vector<16xi32>,
      %sub3A_162 = vector.broadcast %mul3A_2 : i32 to vector<16xi32>
      %sub3A_163 = arith.subi %get3A_161, %sub3A_162 : vector<16xi32>
      %bitcast3A_164 = vector.bitcast %sub3A_163 : vector<16xi32> to vector<16xi32>
      %lt3A_165 = vector.broadcast %select_n3A : i32 to vector<16xi32>
      %lt3A_166 = arith.cmpi ult, %bitcast3A_164, %lt3A_165 : vector<16xi32>
      %add3A_167 = arith.constant 11 : i32
      %add3A_168 = arith.addi %add3A_48, %add3A_167 : i32
      %mul3A_169 = arith.constant 16 : i32
      %mul3A_170 = arith.muli %add3A_168, %mul3A_169 : i32
      %get3A_171 = arith.index_cast %mul3A_170 : i32 to index
      %get3A_172 = tpu.vector_load %arg6[%get3A_171] {strides = array<i32>} : memref<16384xi32, #tpu.memory_space<vmem>>, vector<16xi32>,
      %sub3A_173 = vector.broadcast %mul3A_2 : i32 to vector<16xi32>
      %sub3A_174 = arith.subi %get3A_172, %sub3A_173 : vector<16xi32>
      %bitcast3A_175 = vector.bitcast %sub3A_174 : vector<16xi32> to vector<16xi32>
      %lt3A_176 = vector.broadcast %select_n3A : i32 to vector<16xi32>
      %lt3A_177 = arith.cmpi ult, %bitcast3A_175, %lt3A_176 : vector<16xi32>
      %add3A_178 = arith.constant 12 : i32
      %add3A_179 = arith.addi %add3A_48, %add3A_178 : i32
      %mul3A_180 = arith.constant 16 : i32
      %mul3A_181 = arith.muli %add3A_179, %mul3A_180 : i32
      %get3A_182 = arith.index_cast %mul3A_181 : i32 to index
      %get3A_183 = tpu.vector_load %arg6[%get3A_182] {strides = array<i32>} : memref<16384xi32, #tpu.memory_space<vmem>>, vector<16xi32>,
      %sub3A_184 = vector.broadcast %mul3A_2 : i32 to vector<16xi32>
      %sub3A_185 = arith.subi %get3A_183, %sub3A_184 : vector<16xi32>
      %bitcast3A_186 = vector.bitcast %sub3A_185 : vector<16xi32> to vector<16xi32>
      %lt3A_187 = vector.broadcast %select_n3A : i32 to vector<16xi32>
      %lt3A_188 = arith.cmpi ult, %bitcast3A_186, %lt3A_187 : vector<16xi32>
      %add3A_189 = arith.constant 13 : i32
      %add3A_190 = arith.addi %add3A_48, %add3A_189 : i32
      %mul3A_191 = arith.constant 16 : i32
      %mul3A_192 = arith.muli %add3A_190, %mul3A_191 : i32
      %get3A_193 = arith.index_cast %mul3A_192 : i32 to index
      %get3A_194 = tpu.vector_load %arg6[%get3A_193] {strides = array<i32>} : memref<16384xi32, #tpu.memory_space<vmem>>, vector<16xi32>,
      %sub3A_195 = vector.broadcast %mul3A_2 : i32 to vector<16xi32>
      %sub3A_196 = arith.subi %get3A_194, %sub3A_195 : vector<16xi32>
      %bitcast3A_197 = vector.bitcast %sub3A_196 : vector<16xi32> to vector<16xi32>
      %lt3A_198 = vector.broadcast %select_n3A : i32 to vector<16xi32>
      %lt3A_199 = arith.cmpi ult, %bitcast3A_197, %lt3A_198 : vector<16xi32>
      %add3A_200 = arith.constant 14 : i32
      %add3A_201 = arith.addi %add3A_48, %add3A_200 : i32
      %mul3A_202 = arith.constant 16 : i32
      %mul3A_203 = arith.muli %add3A_201, %mul3A_202 : i32
      %get3A_204 = arith.index_cast %mul3A_203 : i32 to index
      %get3A_205 = tpu.vector_load %arg6[%get3A_204] {strides = array<i32>} : memref<16384xi32, #tpu.memory_space<vmem>>, vector<16xi32>,
      %sub3A_206 = vector.broadcast %mul3A_2 : i32 to vector<16xi32>
      %sub3A_207 = arith.subi %get3A_205, %sub3A_206 : vector<16xi32>
      %bitcast3A_208 = vector.bitcast %sub3A_207 : vector<16xi32> to vector<16xi32>
      %lt3A_209 = vector.broadcast %select_n3A : i32 to vector<16xi32>
      %lt3A_210 = arith.cmpi ult, %bitcast3A_208, %lt3A_209 : vector<16xi32>
      %add3A_211 = arith.constant 15 : i32
      %add3A_212 = arith.addi %add3A_48, %add3A_211 : i32
      %mul3A_213 = arith.constant 16 : i32
      %mul3A_214 = arith.muli %add3A_212, %mul3A_213 : i32
      %get3A_215 = arith.index_cast %mul3A_214 : i32 to index
      %get3A_216 = tpu.vector_load %arg6[%get3A_215] {strides = array<i32>} : memref<16384xi32, #tpu.memory_space<vmem>>, vector<16xi32>,
      %sub3A_217 = vector.broadcast %mul3A_2 : i32 to vector<16xi32>
      %sub3A_218 = arith.subi %get3A_216, %sub3A_217 : vector<16xi32>
      %bitcast3A_219 = vector.bitcast %sub3A_218 : vector<16xi32> to vector<16xi32>
      %lt3A_220 = vector.broadcast %select_n3A : i32 to vector<16xi32>
      %lt3A_221 = arith.cmpi ult, %bitcast3A_219, %lt3A_220 : vector<16xi32>
      %get3A_222 = arith.index_cast %mul3A_52 : i32 to index
      %get3A_223 = tpu.vector_load %arg7[%get3A_222] {strides = array<i32>} : memref<16384xf32, #tpu.memory_space<vmem>>, vector<16xf32>,
      tpu.vector_store_idx %arg8[%sub3A_54], %get3A_223 masked %lt3A_56 : memref<31256xf32, #tpu.memory_space<vmem>>[vector<16xi32>], vector<16xf32>, vector<16xi1>
      %get3A_224 = arith.index_cast %mul3A_60 : i32 to index
      %get3A_225 = tpu.vector_load %arg7[%get3A_224] {strides = array<i32>} : memref<16384xf32, #tpu.memory_space<vmem>>, vector<16xf32>,
      tpu.vector_store_idx %arg8[%sub3A_64], %get3A_225 masked %lt3A_67 : memref<31256xf32, #tpu.memory_space<vmem>>[vector<16xi32>], vector<16xf32>, vector<16xi1>
      %get3A_226 = arith.index_cast %mul3A_71 : i32 to index
      %get3A_227 = tpu.vector_load %arg7[%get3A_226] {strides = array<i32>} : memref<16384xf32, #tpu.memory_space<vmem>>, vector<16xf32>,
      tpu.vector_store_idx %arg8[%sub3A_75], %get3A_227 masked %lt3A_78 : memref<31256xf32, #tpu.memory_space<vmem>>[vector<16xi32>], vector<16xf32>, vector<16xi1>
      %get3A_228 = arith.index_cast %mul3A_82 : i32 to index
      %get3A_229 = tpu.vector_load %arg7[%get3A_228] {strides = array<i32>} : memref<16384xf32, #tpu.memory_space<vmem>>, vector<16xf32>,
      tpu.vector_store_idx %arg8[%sub3A_86], %get3A_229 masked %lt3A_89 : memref<31256xf32, #tpu.memory_space<vmem>>[vector<16xi32>], vector<16xf32>, vector<16xi1>
      %get3A_230 = arith.index_cast %mul3A_93 : i32 to index
      %get3A_231 = tpu.vector_load %arg7[%get3A_230] {strides = array<i32>} : memref<16384xf32, #tpu.memory_space<vmem>>, vector<16xf32>,
      tpu.vector_store_idx %arg8[%sub3A_97], %get3A_231 masked %lt3A_100 : memref<31256xf32, #tpu.memory_space<vmem>>[vector<16xi32>], vector<16xf32>, vector<16xi1>
      %get3A_232 = arith.index_cast %mul3A_104 : i32 to index
      %get3A_233 = tpu.vector_load %arg7[%get3A_232] {strides = array<i32>} : memref<16384xf32, #tpu.memory_space<vmem>>, vector<16xf32>,
      tpu.vector_store_idx %arg8[%sub3A_108], %get3A_233 masked %lt3A_111 : memref<31256xf32, #tpu.memory_space<vmem>>[vector<16xi32>], vector<16xf32>, vector<16xi1>
      %get3A_234 = arith.index_cast %mul3A_115 : i32 to index
      %get3A_235 = tpu.vector_load %arg7[%get3A_234] {strides = array<i32>} : memref<16384xf32, #tpu.memory_space<vmem>>, vector<16xf32>,
      tpu.vector_store_idx %arg8[%sub3A_119], %get3A_235 masked %lt3A_122 : memref<31256xf32, #tpu.memory_space<vmem>>[vector<16xi32>], vector<16xf32>, vector<16xi1>
      %get3A_236 = arith.index_cast %mul3A_126 : i32 to index
      %get3A_237 = tpu.vector_load %arg7[%get3A_236] {strides = array<i32>} : memref<16384xf32, #tpu.memory_space<vmem>>, vector<16xf32>,
      tpu.vector_store_idx %arg8[%sub3A_130], %get3A_237 masked %lt3A_133 : memref<31256xf32, #tpu.memory_space<vmem>>[vector<16xi32>], vector<16xf32>, vector<16xi1>
      %get3A_238 = arith.index_cast %mul3A_137 : i32 to index
      %get3A_239 = tpu.vector_load %arg7[%get3A_238] {strides = array<i32>} : memref<16384xf32, #tpu.memory_space<vmem>>, vector<16xf32>,
      tpu.vector_store_idx %arg8[%sub3A_141], %get3A_239 masked %lt3A_144 : memref<31256xf32, #tpu.memory_space<vmem>>[vector<16xi32>], vector<16xf32>, vector<16xi1>
      %get3A_240 = arith.index_cast %mul3A_148 : i32 to index
      %get3A_241 = tpu.vector_load %arg7[%get3A_240] {strides = array<i32>} : memref<16384xf32, #tpu.memory_space<vmem>>, vector<16xf32>,
      tpu.vector_store_idx %arg8[%sub3A_152], %get3A_241 masked %lt3A_155 : memref<31256xf32, #tpu.memory_space<vmem>>[vector<16xi32>], vector<16xf32>, vector<16xi1>
      %get3A_242 = arith.index_cast %mul3A_159 : i32 to index
      %get3A_243 = tpu.vector_load %arg7[%get3A_242] {strides = array<i32>} : memref<16384xf32, #tpu.memory_space<vmem>>, vector<16xf32>,
      tpu.vector_store_idx %arg8[%sub3A_163], %get3A_243 masked %lt3A_166 : memref<31256xf32, #tpu.memory_space<vmem>>[vector<16xi32>], vector<16xf32>, vector<16xi1>
      %get3A_244 = arith.index_cast %mul3A_170 : i32 to index
      %get3A_245 = tpu.vector_load %arg7[%get3A_244] {strides = array<i32>} : memref<16384xf32, #tpu.memory_space<vmem>>, vector<16xf32>,
      tpu.vector_store_idx %arg8[%sub3A_174], %get3A_245 masked %lt3A_177 : memref<31256xf32, #tpu.memory_space<vmem>>[vector<16xi32>], vector<16xf32>, vector<16xi1>
      %get3A_246 = arith.index_cast %mul3A_181 : i32 to index
      %get3A_247 = tpu.vector_load %arg7[%get3A_246] {strides = array<i32>} : memref<16384xf32, #tpu.memory_space<vmem>>, vector<16xf32>,
      tpu.vector_store_idx %arg8[%sub3A_185], %get3A_247 masked %lt3A_188 : memref<31256xf32, #tpu.memory_space<vmem>>[vector<16xi32>], vector<16xf32>, vector<16xi1>
      %get3A_248 = arith.index_cast %mul3A_192 : i32 to index
      %get3A_249 = tpu.vector_load %arg7[%get3A_248] {strides = array<i32>} : memref<16384xf32, #tpu.memory_space<vmem>>, vector<16xf32>,
      tpu.vector_store_idx %arg8[%sub3A_196], %get3A_249 masked %lt3A_199 : memref<31256xf32, #tpu.memory_space<vmem>>[vector<16xi32>], vector<16xf32>, vector<16xi1>
      %get3A_250 = arith.index_cast %mul3A_203 : i32 to index
      %get3A_251 = tpu.vector_load %arg7[%get3A_250] {strides = array<i32>} : memref<16384xf32, #tpu.memory_space<vmem>>, vector<16xf32>,
      tpu.vector_store_idx %arg8[%sub3A_207], %get3A_251 masked %lt3A_210 : memref<31256xf32, #tpu.memory_space<vmem>>[vector<16xi32>], vector<16xf32>, vector<16xi1>
      %get3A_252 = arith.index_cast %mul3A_214 : i32 to index
      %get3A_253 = tpu.vector_load %arg7[%get3A_252] {strides = array<i32>} : memref<16384xf32, #tpu.memory_space<vmem>>, vector<16xf32>,
      tpu.vector_store_idx %arg8[%sub3A_218], %get3A_253 masked %lt3A_221 : memref<31256xf32, #tpu.memory_space<vmem>>[vector<16xi32>], vector<16xf32>, vector<16xi1>
    }
    %scan3A_33 = arith.constant 64 : i32
    %lt3A_34 = arith.constant 31 : i32
    %lt3A_35 = arith.cmpi slt, %add3A, %lt3A_34 : i32
    %convert_element_type3A_36 = arith.extui %lt3A_35 : i1 to i32
    %cond3A_37 = arith.constant 0 : i32
    %cond3A_38 = arith.cmpi ne, %convert_element_type3A_36, %cond3A_37 : i32
    scf.if %cond3A_38 {
      "tpu.region"() ({
        %run_scoped3A = tpu.sem_alloc : memref<!tpu.dma_semaphore, #tpu.memory_space<semaphore_mem>>
        %dma_start3A_44 = tpu.memref_slice %arg5[%mul3A_2] : memref<1000000xf32, #tpu.memory_space<hbm>> -> memref<31256xf32, #tpu.memory_space<hbm>>
        %dma_start3A_45 = tpu.memref_slice %arg5[%mul3A_2] : memref<1000000xf32, #tpu.memory_space<hbm>> -> memref<31256xf32, #tpu.memory_space<hbm>>
        tpu.enqueue_dma source(%arg8 : memref<31256xf32, #tpu.memory_space<vmem>>) target(%dma_start3A_45 : memref<31256xf32, #tpu.memory_space<hbm>>) target_semaphore(%run_scoped3A : memref<!tpu.dma_semaphore, #tpu.memory_space<semaphore_mem>>)
        %dma_wait3A_46 = tpu.memref_slice %arg5[%mul3A_2] : memref<1000000xf32, #tpu.memory_space<hbm>> -> memref<31256xf32, #tpu.memory_space<hbm>>
        %dma_wait3A_47 = tpu.memref_slice %arg5[%mul3A_2] : memref<1000000xf32, #tpu.memory_space<hbm>> -> memref<31256xf32, #tpu.memory_space<hbm>>
        tpu.wait_dma2 semaphore(%run_scoped3A : memref<!tpu.dma_semaphore, #tpu.memory_space<semaphore_mem>>) src(%arg8 : memref<31256xf32, #tpu.memory_space<vmem>>) dst(%dma_wait3A_47 : memref<31256xf32, #tpu.memory_space<hbm>>)
        tpu.yield
      }) : () -> ()
    } else {
    }
    %eq3A_39 = arith.constant 31 : i32
    %eq3A_40 = arith.cmpi eq, %add3A, %eq3A_39 : i32
    %convert_element_type3A_41 = arith.extui %eq3A_40 : i1 to i32
    %cond3A_42 = arith.constant 0 : i32
    %cond3A_43 = arith.cmpi ne, %convert_element_type3A_41, %cond3A_42 : i32
    scf.if %cond3A_43 {
      "tpu.region"() ({
        %run_scoped3A = tpu.sem_alloc : memref<!tpu.dma_semaphore, #tpu.memory_space<semaphore_mem>>
        %dma_start3A_44 = arith.constant 0 : i32
        %dma_start3A_45 = tpu.memref_slice %arg8[%dma_start3A_44] : memref<31256xf32, #tpu.memory_space<vmem>> -> memref<31064xf32, #tpu.memory_space<vmem>>
        %dma_start3A_46 = arith.constant 968936 : i32
        %dma_start3A_47 = tpu.memref_slice %arg5[%dma_start3A_46] : memref<1000000xf32, #tpu.memory_space<hbm>> -> memref<31064xf32, #tpu.memory_space<hbm>>
        %dma_start3A_48 = arith.constant 968936 : i32
        %dma_start3A_49 = tpu.memref_slice %arg5[%dma_start3A_48] : memref<1000000xf32, #tpu.memory_space<hbm>> -> memref<31064xf32, #tpu.memory_space<hbm>>
        %dma_start3A_50 = arith.constant 0 : i32
        %dma_start3A_51 = tpu.memref_slice %arg8[%dma_start3A_50] : memref<31256xf32, #tpu.memory_space<vmem>> -> memref<31064xf32, #tpu.memory_space<vmem>>
        tpu.enqueue_dma source(%dma_start3A_51 : memref<31064xf32, #tpu.memory_space<vmem>>) target(%dma_start3A_49 : memref<31064xf32, #tpu.memory_space<hbm>>) target_semaphore(%run_scoped3A : memref<!tpu.dma_semaphore, #tpu.memory_space<semaphore_mem>>)
        %dma_wait3A_52 = arith.constant 0 : i32
        %dma_wait3A_53 = tpu.memref_slice %arg8[%dma_wait3A_52] : memref<31256xf32, #tpu.memory_space<vmem>> -> memref<31064xf32, #tpu.memory_space<vmem>>
        %dma_wait3A_54 = arith.constant 968936 : i32
        %dma_wait3A_55 = tpu.memref_slice %arg5[%dma_wait3A_54] : memref<1000000xf32, #tpu.memory_space<hbm>> -> memref<31064xf32, #tpu.memory_space<hbm>>
        %dma_wait3A_56 = arith.constant 968936 : i32
        %dma_wait3A_57 = tpu.memref_slice %arg5[%dma_wait3A_56] : memref<1000000xf32, #tpu.memory_space<hbm>> -> memref<31064xf32, #tpu.memory_space<hbm>>
        %dma_wait3A_58 = arith.constant 0 : i32
        %dma_wait3A_59 = tpu.memref_slice %arg8[%dma_wait3A_58] : memref<31256xf32, #tpu.memory_space<vmem>> -> memref<31064xf32, #tpu.memory_space<vmem>>
        tpu.wait_dma2 semaphore(%run_scoped3A : memref<!tpu.dma_semaphore, #tpu.memory_space<semaphore_mem>>) src(%dma_wait3A_59 : memref<31064xf32, #tpu.memory_space<vmem>>) dst(%dma_wait3A_57 : memref<31064xf32, #tpu.memory_space<hbm>>)
        tpu.yield
      }) : () -> ()
    } else {
    }
    return
  }
}

module attributes {stable_mosaic.version = 14 : i64} {
  func.func @_tc_dedup(%arg0: memref<128x128xi32, #tpu.memory_space<vmem>>, %arg1: memref<128x128xi32, #tpu.memory_space<vmem>>) attributes {dimension_semantics = [], scalar_prefetch = 0 : i64, scratch_operands = 0 : i64, tpu.core_type = #tpu.core_type<tc>} {
    %get3A = arith.constant 0 : index
    %get3A_0 = arith.constant 0 : index
    %get3A_1 = vector.load %arg0[%get3A, %get3A_0] : memref<128x128xi32, #tpu.memory_space<vmem>>, vector<128x128xi32>
    %iota3A = tpu.iota {dimensions = array<i32: 1>} : vector<128x128xi32>
    %jit3A = arith.constant 16 : i32
    %eq3A = arith.constant 0 : i32
    %eq3A_2 = arith.cmpi eq, %jit3A, %eq3A : i32
    %jit3A_3 = arith.constant 1 : i32
    %select_n3A = arith.select %eq3A_2, %jit3A_3, %jit3A : i32
    %rem3A = vector.broadcast %select_n3A : i32 to vector<128x128xi32>
    %rem3A_4 = arith.remsi %iota3A, %rem3A : vector<128x128xi32>
    %ne3A = arith.constant 0 : i32
    %ne3A_5 = vector.broadcast %ne3A : i32 to vector<128x128xi32>
    %ne3A_6 = arith.cmpi ne, %rem3A_4, %ne3A_5 : vector<128x128xi32>
    %lt3A = arith.constant 0 : i32
    %lt3A_7 = vector.broadcast %lt3A : i32 to vector<128x128xi32>
    %lt3A_8 = arith.cmpi slt, %rem3A_4, %lt3A_7 : vector<128x128xi32>
    %lt3A_9 = arith.constant 0 : i32
    %lt3A_10 = arith.cmpi slt, %select_n3A, %lt3A_9 : i32
    %ne3A_11 = vector.broadcast %lt3A_10 : i1 to vector<128x128xi1>
    %ne3A_12 = vector.broadcast %ne3A_11 : vector<128x128xi1> to vector<128x128xi1>
    %ne3A_13 = arith.xori %lt3A_8, %ne3A_12 : vector<128x128xi1>
    %and3A = arith.andi %ne3A_13, %ne3A_6 : vector<128x128xi1>
    %add3A = vector.broadcast %select_n3A : i32 to vector<128x128xi32>
    %add3A_14 = arith.addi %rem3A_4, %add3A : vector<128x128xi32>
    %select_n3A_15 = arith.select %and3A, %add3A_14, %rem3A_4 : vector<128x128xi1>, vector<128x128xi32>
    %broadcast_in_dim3A = arith.constant false
    %broadcast_in_dim3A_16 = vector.broadcast %broadcast_in_dim3A : i1 to vector<128x128xi1>
    %roll3A = arith.constant 127 : i32
    %roll3A_17 = tpu.dynamic_rotate %get3A_1 by %roll3A dim 1 : vector<128x128xi32>, i32 -> vector<128x128xi32>
    %eq3A_18 = arith.cmpi eq, %roll3A_17, %get3A_1 : vector<128x128xi32>
    %lt3A_19 = arith.constant 15 : i32
    %lt3A_20 = vector.broadcast %lt3A_19 : i32 to vector<128x128xi32>
    %lt3A_21 = arith.cmpi slt, %select_n3A_15, %lt3A_20 : vector<128x128xi32>
    %and3A_22 = arith.andi %eq3A_18, %lt3A_21 : vector<128x128xi1>
    %or3A = arith.ori %broadcast_in_dim3A_16, %and3A_22 : vector<128x128xi1>
    %roll3A_23 = arith.constant 126 : i32
    %roll3A_24 = tpu.dynamic_rotate %get3A_1 by %roll3A_23 dim 1 : vector<128x128xi32>, i32 -> vector<128x128xi32>
    %eq3A_25 = arith.cmpi eq, %roll3A_24, %get3A_1 : vector<128x128xi32>
    %lt3A_26 = arith.constant 14 : i32
    %lt3A_27 = vector.broadcast %lt3A_26 : i32 to vector<128x128xi32>
    %lt3A_28 = arith.cmpi slt, %select_n3A_15, %lt3A_27 : vector<128x128xi32>
    %and3A_29 = arith.andi %eq3A_25, %lt3A_28 : vector<128x128xi1>
    %or3A_30 = arith.ori %or3A, %and3A_29 : vector<128x128xi1>
    %roll3A_31 = arith.constant 125 : i32
    %roll3A_32 = tpu.dynamic_rotate %get3A_1 by %roll3A_31 dim 1 : vector<128x128xi32>, i32 -> vector<128x128xi32>
    %eq3A_33 = arith.cmpi eq, %roll3A_32, %get3A_1 : vector<128x128xi32>
    %lt3A_34 = arith.constant 13 : i32
    %lt3A_35 = vector.broadcast %lt3A_34 : i32 to vector<128x128xi32>
    %lt3A_36 = arith.cmpi slt, %select_n3A_15, %lt3A_35 : vector<128x128xi32>
    %and3A_37 = arith.andi %eq3A_33, %lt3A_36 : vector<128x128xi1>
    %or3A_38 = arith.ori %or3A_30, %and3A_37 : vector<128x128xi1>
    %roll3A_39 = arith.constant 124 : i32
    %roll3A_40 = tpu.dynamic_rotate %get3A_1 by %roll3A_39 dim 1 : vector<128x128xi32>, i32 -> vector<128x128xi32>
    %eq3A_41 = arith.cmpi eq, %roll3A_40, %get3A_1 : vector<128x128xi32>
    %lt3A_42 = arith.constant 12 : i32
    %lt3A_43 = vector.broadcast %lt3A_42 : i32 to vector<128x128xi32>
    %lt3A_44 = arith.cmpi slt, %select_n3A_15, %lt3A_43 : vector<128x128xi32>
    %and3A_45 = arith.andi %eq3A_41, %lt3A_44 : vector<128x128xi1>
    %or3A_46 = arith.ori %or3A_38, %and3A_45 : vector<128x128xi1>
    %roll3A_47 = arith.constant 123 : i32
    %roll3A_48 = tpu.dynamic_rotate %get3A_1 by %roll3A_47 dim 1 : vector<128x128xi32>, i32 -> vector<128x128xi32>
    %eq3A_49 = arith.cmpi eq, %roll3A_48, %get3A_1 : vector<128x128xi32>
    %lt3A_50 = arith.constant 11 : i32
    %lt3A_51 = vector.broadcast %lt3A_50 : i32 to vector<128x128xi32>
    %lt3A_52 = arith.cmpi slt, %select_n3A_15, %lt3A_51 : vector<128x128xi32>
    %and3A_53 = arith.andi %eq3A_49, %lt3A_52 : vector<128x128xi1>
    %or3A_54 = arith.ori %or3A_46, %and3A_53 : vector<128x128xi1>
    %roll3A_55 = arith.constant 122 : i32
    %roll3A_56 = tpu.dynamic_rotate %get3A_1 by %roll3A_55 dim 1 : vector<128x128xi32>, i32 -> vector<128x128xi32>
    %eq3A_57 = arith.cmpi eq, %roll3A_56, %get3A_1 : vector<128x128xi32>
    %lt3A_58 = arith.constant 10 : i32
    %lt3A_59 = vector.broadcast %lt3A_58 : i32 to vector<128x128xi32>
    %lt3A_60 = arith.cmpi slt, %select_n3A_15, %lt3A_59 : vector<128x128xi32>
    %and3A_61 = arith.andi %eq3A_57, %lt3A_60 : vector<128x128xi1>
    %or3A_62 = arith.ori %or3A_54, %and3A_61 : vector<128x128xi1>
    %roll3A_63 = arith.constant 121 : i32
    %roll3A_64 = tpu.dynamic_rotate %get3A_1 by %roll3A_63 dim 1 : vector<128x128xi32>, i32 -> vector<128x128xi32>
    %eq3A_65 = arith.cmpi eq, %roll3A_64, %get3A_1 : vector<128x128xi32>
    %lt3A_66 = arith.constant 9 : i32
    %lt3A_67 = vector.broadcast %lt3A_66 : i32 to vector<128x128xi32>
    %lt3A_68 = arith.cmpi slt, %select_n3A_15, %lt3A_67 : vector<128x128xi32>
    %and3A_69 = arith.andi %eq3A_65, %lt3A_68 : vector<128x128xi1>
    %or3A_70 = arith.ori %or3A_62, %and3A_69 : vector<128x128xi1>
    %roll3A_71 = arith.constant 120 : i32
    %roll3A_72 = tpu.dynamic_rotate %get3A_1 by %roll3A_71 dim 1 : vector<128x128xi32>, i32 -> vector<128x128xi32>
    %eq3A_73 = arith.cmpi eq, %roll3A_72, %get3A_1 : vector<128x128xi32>
    %lt3A_74 = arith.constant 8 : i32
    %lt3A_75 = vector.broadcast %lt3A_74 : i32 to vector<128x128xi32>
    %lt3A_76 = arith.cmpi slt, %select_n3A_15, %lt3A_75 : vector<128x128xi32>
    %and3A_77 = arith.andi %eq3A_73, %lt3A_76 : vector<128x128xi1>
    %or3A_78 = arith.ori %or3A_70, %and3A_77 : vector<128x128xi1>
    %roll3A_79 = arith.constant 119 : i32
    %roll3A_80 = tpu.dynamic_rotate %get3A_1 by %roll3A_79 dim 1 : vector<128x128xi32>, i32 -> vector<128x128xi32>
    %eq3A_81 = arith.cmpi eq, %roll3A_80, %get3A_1 : vector<128x128xi32>
    %lt3A_82 = arith.constant 7 : i32
    %lt3A_83 = vector.broadcast %lt3A_82 : i32 to vector<128x128xi32>
    %lt3A_84 = arith.cmpi slt, %select_n3A_15, %lt3A_83 : vector<128x128xi32>
    %and3A_85 = arith.andi %eq3A_81, %lt3A_84 : vector<128x128xi1>
    %or3A_86 = arith.ori %or3A_78, %and3A_85 : vector<128x128xi1>
    %roll3A_87 = arith.constant 118 : i32
    %roll3A_88 = tpu.dynamic_rotate %get3A_1 by %roll3A_87 dim 1 : vector<128x128xi32>, i32 -> vector<128x128xi32>
    %eq3A_89 = arith.cmpi eq, %roll3A_88, %get3A_1 : vector<128x128xi32>
    %lt3A_90 = arith.constant 6 : i32
    %lt3A_91 = vector.broadcast %lt3A_90 : i32 to vector<128x128xi32>
    %lt3A_92 = arith.cmpi slt, %select_n3A_15, %lt3A_91 : vector<128x128xi32>
    %and3A_93 = arith.andi %eq3A_89, %lt3A_92 : vector<128x128xi1>
    %or3A_94 = arith.ori %or3A_86, %and3A_93 : vector<128x128xi1>
    %roll3A_95 = arith.constant 117 : i32
    %roll3A_96 = tpu.dynamic_rotate %get3A_1 by %roll3A_95 dim 1 : vector<128x128xi32>, i32 -> vector<128x128xi32>
    %eq3A_97 = arith.cmpi eq, %roll3A_96, %get3A_1 : vector<128x128xi32>
    %lt3A_98 = arith.constant 5 : i32
    %lt3A_99 = vector.broadcast %lt3A_98 : i32 to vector<128x128xi32>
    %lt3A_100 = arith.cmpi slt, %select_n3A_15, %lt3A_99 : vector<128x128xi32>
    %and3A_101 = arith.andi %eq3A_97, %lt3A_100 : vector<128x128xi1>
    %or3A_102 = arith.ori %or3A_94, %and3A_101 : vector<128x128xi1>
    %roll3A_103 = arith.constant 116 : i32
    %roll3A_104 = tpu.dynamic_rotate %get3A_1 by %roll3A_103 dim 1 : vector<128x128xi32>, i32 -> vector<128x128xi32>
    %eq3A_105 = arith.cmpi eq, %roll3A_104, %get3A_1 : vector<128x128xi32>
    %lt3A_106 = arith.constant 4 : i32
    %lt3A_107 = vector.broadcast %lt3A_106 : i32 to vector<128x128xi32>
    %lt3A_108 = arith.cmpi slt, %select_n3A_15, %lt3A_107 : vector<128x128xi32>
    %and3A_109 = arith.andi %eq3A_105, %lt3A_108 : vector<128x128xi1>
    %or3A_110 = arith.ori %or3A_102, %and3A_109 : vector<128x128xi1>
    %roll3A_111 = arith.constant 115 : i32
    %roll3A_112 = tpu.dynamic_rotate %get3A_1 by %roll3A_111 dim 1 : vector<128x128xi32>, i32 -> vector<128x128xi32>
    %eq3A_113 = arith.cmpi eq, %roll3A_112, %get3A_1 : vector<128x128xi32>
    %lt3A_114 = arith.constant 3 : i32
    %lt3A_115 = vector.broadcast %lt3A_114 : i32 to vector<128x128xi32>
    %lt3A_116 = arith.cmpi slt, %select_n3A_15, %lt3A_115 : vector<128x128xi32>
    %and3A_117 = arith.andi %eq3A_113, %lt3A_116 : vector<128x128xi1>
    %or3A_118 = arith.ori %or3A_110, %and3A_117 : vector<128x128xi1>
    %roll3A_119 = arith.constant 114 : i32
    %roll3A_120 = tpu.dynamic_rotate %get3A_1 by %roll3A_119 dim 1 : vector<128x128xi32>, i32 -> vector<128x128xi32>
    %eq3A_121 = arith.cmpi eq, %roll3A_120, %get3A_1 : vector<128x128xi32>
    %lt3A_122 = arith.constant 2 : i32
    %lt3A_123 = vector.broadcast %lt3A_122 : i32 to vector<128x128xi32>
    %lt3A_124 = arith.cmpi slt, %select_n3A_15, %lt3A_123 : vector<128x128xi32>
    %and3A_125 = arith.andi %eq3A_121, %lt3A_124 : vector<128x128xi1>
    %or3A_126 = arith.ori %or3A_118, %and3A_125 : vector<128x128xi1>
    %roll3A_127 = arith.constant 113 : i32
    %roll3A_128 = tpu.dynamic_rotate %get3A_1 by %roll3A_127 dim 1 : vector<128x128xi32>, i32 -> vector<128x128xi32>
    %eq3A_129 = arith.cmpi eq, %roll3A_128, %get3A_1 : vector<128x128xi32>
    %lt3A_130 = arith.constant 1 : i32
    %lt3A_131 = vector.broadcast %lt3A_130 : i32 to vector<128x128xi32>
    %lt3A_132 = arith.cmpi slt, %select_n3A_15, %lt3A_131 : vector<128x128xi32>
    %and3A_133 = arith.andi %eq3A_129, %lt3A_132 : vector<128x128xi1>
    %or3A_134 = arith.ori %or3A_126, %and3A_133 : vector<128x128xi1>
    %jit3A_135 = arith.constant 1073741824 : i32
    %broadcast_in_dim3A_136 = vector.broadcast %jit3A_135 : i32 to vector<128x128xi32>
    %select_n3A_137 = arith.select %or3A_134, %broadcast_in_dim3A_136, %get3A_1 : vector<128x128xi1>, vector<128x128xi32>
    %swap3A = arith.constant 0 : index
    %swap3A_138 = arith.constant 0 : index
    %swap3A_139 = vector.load %arg1[%swap3A, %swap3A_138] : memref<128x128xi32, #tpu.memory_space<vmem>>, vector<128x128xi32>
    tpu.vector_store %arg1[%swap3A, %swap3A_138], %select_n3A_137 {strides = array<i32>} : memref<128x128xi32, #tpu.memory_space<vmem>>, vector<128x128xi32>,
    return
  }
}

</mosaic_0001>

<sc_bundles>
// kernel: kernel.4.cloned.1.call-start
scs
__scs_entry_jumppad:
0x0: {  	(pc) =	sbr.rel $0x88, $3  }
0x1: {  	(tag) =	ssettag $0x0;
	lr =	simm.s32 $0x1  }
0x2: {  	[smem:$0x3F9E] =	sst lr;
	_ =	strace $0xD0000000  }
0x3: {  	_ = 	snop  }
0x4: {  	_ = 	snop  }
0x5: {  	_ = 	snop  }
0x6: {  	_ = 	snop  }
0x7: {  	_ = 	snop  }
__scs_overlays_trampoline_lowered:
0x8: {  	[smem:$0x3FAD] =	sst s0  }
0x9: {  	[smem:$0x3FAE] =	sst s1  }
0xa: {  	[smem:$0x3FAF] =	sst s2  }
0xb: {  	[smem:$0x3FB0] =	sst s3  }
0xc: {  	[smem:$0x3FB1] =	sst s4  }
0xd: {  	[smem:$0x3FB2] =	sst s5  }
0xe: {  	[smem:$0x3FB3] =	sst s6  }
0xf: {  	[smem:$0x3FB4] =	sst s7  }
0x10: {  	[smem:$0x3FB5] =	sst s8  }
0x11: {  	[smem:$0x3FB6] =	sst s9;
	s0 =	simm.s32 @!p0 $0x0  }
0x12: {  	s1 =	sld [smem:$0x3F9C];
	s0 =	simm.s32 @p0 $0x1  }
0x13: {  	[smem:$0x3FB7] =	sst s0;
	s0 =	simm.s32 @!p1 $0x0  }
0x14: {  	s2 =	sld [smem:$0x3F9B];
	s0 =	simm.s32 @p1 $0x1  }
0x15: {  	[smem:$0x3FB8] =	sst s0;
	s0 =	simm.s32 @!p2 $0x0  }
0x16: {  	s3 =	sld [smem:$0x3FDB];
	s0 =	simm.s32 @p2 $0x1  }
0x17: {  	s4 =	simm.s32 $0x1BF5;
	[smem:$0x3FBA] =	sst s0  }
0x18: {  	s0 =	sld [smem:$0x3F9D];
	_ =	swait.ge [sflag:s4], $0x0  }
0x19: {  	s7 =	sld [smem:$0x3F9E]  }
0x1a: {  	s8 =	sadd.s32 $0xFFFFE003, lr  }
0x1b: {  	s9 =	sadd.s32 $0xFFFFFEF7, lr;
	s5 =	simm.s32 $0xFFFFFFFF;
	p2 =	slt.u32 s8, $0xFFFFF086  }
0x1c: {  	p1 =	slt.u32 s9, $0xF7A;
	s5 =	simm.s32 @!p2 $0x0  }
0x1d: {  	s5 =	simm.s32 @p1 $0x1;
	p0 =	seq.s32 s7, s2  }
0x1e: {  	s7 =	smul.u32 @!p0 $0xF7A, s2;
	p2 =	seq.s32 @!p0 s5, $0x0  }
0x1f: {  	s9 =	smul.u32 $0xF7A, s1;
	s8 =	simm.s32 @!p0 $0x1BF5;
	p2 =	por !p2, p0  }
0x20: {  	[sflag:s8] =	ssyncset.s32 @!p0 $0xFFFFF086;
	s6 =	sadd.s32 @!p0 s3, s7;
	s7 =	simm.s32 @!p0 $0x108  }
0x21: {  	s3 =	sadd.s32 s3, s9;
	s6 =	sadd.s32 @!p0 $0x88, s6;
	s7 =	simm.s32 @p2 $0x1082  }
0x22: {  	[simem:s7], [sflag:s8] =	dma.local @!p0 [hbm:s6], $0xF7A  }
0x23: {  	s9 =	sor.u32 $0xD0000000, s2;
	s6 =	simm.s32 $0x108;
	_ =	swait.ge @!p0 [sflag:s8], $0x0  }
0x24: {  	s3 =	sadd.s32 $0x88, s3;
	s6 =	simm.s32 @!p1 $0x1082;
	[sflag:s4] =	ssyncset.s32 $0xFFFFF086  }
0x25: {  	[simem:s6], [sflag:s4] =	dma.local [hbm:s3], $0xF7A  }
0x26: {  	[smem:$0x3F9E] =	sst s1;
	(tag) =	ssettag s2;
	_ =	strace s9  }
0x27: {  	s1 =	sld [smem:$0x3FAE]  }
0x28: {  	s2 =	sld [smem:$0x3FAF]  }
0x29: {  	s4 =	sld [smem:$0x3FB1]  }
0x2a: {  	p0 =	seq.s32 s5, $0x0;
	s5 =	sld [smem:$0x3FB2]  }
0x2b: {  	s6 =	sld [smem:$0x3FB3]  }
0x2c: {  	s7 =	sld [smem:$0x3FB4]  }
0x2d: {  	s3 =	simm.s32 $0x108;
	s8 =	sld [smem:$0x3FB5]  }
0x2e: {  	s3 =	simm.s32 @!p0 $0x1082;
	s9 =	sld [smem:$0x3FB6]  }
0x2f: {  	lr =	sadd.s32 s0, s3;
	s0 =	sld [smem:$0x3FAD]  }
0x30: {  	s3 =	sld [smem:$0x3FB0]  }
0x31: {  	[smem:$0x3FB9] =	sst s10  }
0x32: {  	s10 =	sld [smem:$0x3FB7];
	_ =	sdelay $0x3  }
0x33: {  	p0 =	seq.s32 s10, $0x1;
	s10 =	sld [smem:$0x3FB9];
	_ =	sdelay $0x3  }
0x34: {  	[smem:$0x3FB9] =	sst s10  }
0x35: {  	s10 =	sld [smem:$0x3FB8];
	_ =	sdelay $0x3  }
0x36: {  	p1 =	seq.s32 s10, $0x1;
	s10 =	sld [smem:$0x3FB9];
	_ =	sdelay $0x3  }
0x37: {  	[smem:$0x3FB9] =	sst s10  }
0x38: {  	s10 =	sld [smem:$0x3FBA]  }
0x39: {  	_ = 	snop;
	(pc) =	sbr.ind lr, $3  }
0x3a: {  	_ = 	snop  }
0x3b: {  	_ = 	snop  }
0x3c: {  	p2 =	seq.s32 s10, $0x1;
	s10 =	sld [smem:$0x3FB9]  }
0x3d: {  	_ =	shalt  }
0x3e: {  	_ =	shalt  }
0x3f: {  	_ =	shalt  }
0x40: {  	_ =	shalt  }
0x41: {  	_ =	shalt  }
0x42: {  	_ =	shalt  }
0x43: {  	_ =	shalt  }
0x44: {  	_ =	shalt  }
0x45: {  	_ =	shalt  }
0x46: {  	_ =	shalt  }
0x47: {  	_ =	shalt  }
0x48: {  	_ =	shalt  }
0x49: {  	_ =	shalt  }
0x4a: {  	_ =	shalt  }
0x4b: {  	_ =	shalt  }
0x4c: {  	_ =	shalt  }
0x4d: {  	_ =	shalt  }
0x4e: {  	_ =	shalt  }
0x4f: {  	_ =	shalt  }
0x50: {  	_ =	shalt  }
0x51: {  	_ =	shalt  }
0x52: {  	_ =	shalt  }
0x53: {  	_ =	shalt  }
0x54: {  	_ =	shalt  }
0x55: {  	_ =	shalt  }
0x56: {  	_ =	shalt  }
0x57: {  	_ =	shalt  }
0x58: {  	_ =	shalt  }
0x59: {  	_ =	shalt  }
0x5a: {  	_ =	shalt  }
0x5b: {  	_ =	shalt  }
0x5c: {  	_ =	shalt  }
0x5d: {  	_ =	shalt  }
0x5e: {  	_ =	shalt  }
0x5f: {  	_ =	shalt  }
0x60: {  	_ =	shalt  }
0x61: {  	_ =	shalt  }
0x62: {  	_ =	shalt  }
0x63: {  	_ =	shalt  }
0x64: {  	_ =	shalt  }
0x65: {  	_ =	shalt  }
0x66: {  	_ =	shalt  }
0x67: {  	_ =	shalt  }
0x68: {  	_ =	shalt  }
0x69: {  	_ =	shalt  }
0x6a: {  	_ =	shalt  }
0x6b: {  	_ =	shalt  }
0x6c: {  	_ =	shalt  }
0x6d: {  	_ =	shalt  }
0x6e: {  	_ =	shalt  }
0x6f: {  	_ =	shalt  }
0x70: {  	_ =	shalt  }
0x71: {  	_ =	shalt  }
0x72: {  	_ =	shalt  }
0x73: {  	_ =	shalt  }
0x74: {  	_ =	shalt  }
0x75: {  	_ =	shalt  }
0x76: {  	_ =	shalt  }
0x77: {  	_ =	shalt  }
0x78: {  	_ =	shalt  }
0x79: {  	_ =	shalt  }
0x7a: {  	_ =	shalt  }
0x7b: {  	_ =	shalt  }
0x7c: {  	_ =	shalt  }
0x7d: {  	_ =	shalt  }
0x7e: {  	_ =	shalt  }
0x7f: {  	_ =	shalt  }
0x80: {  	_ =	shalt  }
0x81: {  	_ =	shalt  }
0x82: {  	_ =	shalt  }
0x83: {  	_ =	shalt  }
0x84: {  	_ =	shalt  }
0x85: {  	_ =	shalt  }
0x86: {  	_ =	shalt  }
0x87: {  	_ =	shalt  }
.Lfunc_end0:
.L_simem_size_0:
called_computation_lowered:
.L_overlay_start_0:
0x88: {  	s2 =	sld [smem:$0x3FD9]  }
0x89: {  	s3 =	sld [smem:$0x3FFE];
	_ =	sdelay $0x1  }
0x8a: {  	s1 =	srdreg.scid  }
0x8b: {  	s0 =	sand.u32 $0x1, s1  }
0x8c: {  	s17 =	sshll.u32 s0, $0xA;
	s2 =	sadd.s32 s3, s2  }
0x8d: {  	s2 =	sadd.s32 s2, s17  }
0x8e: {  	[smem:$0x3FC5] =	sst s2  }
0x8f: {  	_ = 	snop  }
0x90: {  	s2 =	sld [smem:$0x3FC8]  }
0x91: {  	s18 =	sld [smem:$0x3FC7]  }
0x92: {  	s4 =	sld [smem:$0x3FD0];
	(tm) =	ssettm $0x1  }
0x93: {  	s5 =	sld [smem:$0x3FFB];
	_ =	sdelay $0x3  }
0x94: {  	_ =	strace s5  }
0x95: {  	s5 =	sld [smem:$0x3FFC];
	_ =	sdelay $0x3  }
0x96: {  	_ =	strace s5  }
0x97: {  	s5 =	sld [smem:$0x3FFD];
	_ =	sdelay $0x3  }
0x98: {  	_ =	strace s5  }
0x99: {  	_ =	strace $0x8FFFFFFF  }
0x9a: {  	s19 =	sld [smem:$0x3FDB];
	_ =	sdelay $0x1  }
0x9b: {  	s6 =	simm.s32 $_scs_section_size  }
0x9c: {  	s7 =	simm.s32 $_size__tile_overlayer_lowered;
	s8 =	simm.s32 $_tile_overlayer_lowered  }
0x9d: {  	s22 =	simm.s32 $0x1BFF;
	s21 =	sshll.u32 s8, $0x1;
	s5 =	sadd.s32 s6, s19  }
0x9e: {  	s9 =	simm.s32 $0x0;
	s20 =	sshll.u32 s7, $0x1;
	s7 =	sadd.s32 s21, s5  }
0x9f: {  	[timem:s9], [sflag:s22] =	dma.local [hbm:s7], s20  }
0xa0: {  	_ =	swait.ge [sflag:s22], s20  }
0xa1: {  	s6 =	ssub.s32 $0x0, s20;
	[sflag:s22] =	ssyncset.done $0x0  }
0xa2: {  	[sflag:s22] =	ssyncadd.s32 s6;
	_ =	sdelay $0x1  }
0xa3: {  	s23 =	simm.s32 $0x1B8B  }
0xa4: {  	_ =	swait.ge [sflag:s23], $0x1  }
0xa5: {  	[sflag:s23] =	ssyncset.done $0x0  }
0xa6: {  	s25 =	simm.s32 $0x1B8E;
	s24 =	sld [smem:$0x3FFE];
	[sflag:s23] =	ssyncadd.s32 $0xFFFFFFFF  }
0xa7: {  	s26 =	simm.s32 $execute0_lowered;
	[smem:$0x3FD2] =	sst s25  }
0xa8: {  	s7 =	sshll.u32 s26, $0x1;
	_ =	strace $0x80000046;
	[dreg:$0x1] =	wrdreg $0xFFFFFFFF  }
0xa9: {  	s28 =	simm.s32 $_size_execute0_lowered;
	s5 =	sadd.s32 s5, s7;
	[dreg:$0x0] =	wrdreg $0x0  }
0xaa: {  	s7 =	sshll.u32 s28, $0x1;
	[dreg:$0x2] =	wrdreg s5  }
0xab: {  	[dreg:$0x3] =	wrdreg s7  }
0xac: {  	[dreg:$0x4] =	wrdreg $0xC0  }
0xad: {  	_ =	task [dreg:s9], $0x5FFFF  }
0xae: {  	[dreg:$0x1] =	wrdreg $0xFFFFFFFF  }
0xaf: {  	[dreg:$0x0] =	wrdreg $0x60  }
0xb0: {  	[dreg:$0x2] =	wrdreg s24  }
0xb1: {  	[dreg:$0x3] =	wrdreg s2  }
0xb2: {  	[dreg:$0x4] =	wrdreg s18  }
0xb3: {  	[dreg:$0x5] =	wrdreg s4  }
0xb4: {  	[dreg:$0x6] =	wrdreg $0xFA800  }
0xb5: {  	[dreg:$0x7] =	wrdreg $0xFE800  }
0xb6: {  	[dreg:$0x8] =	wrdreg $0x9  }
0xb7: {  	_ =	task.clear_ibuf [dreg:s9], $0x9FFFF;
	_ =	strace $0x90000046  }
0xb8: {  	s29 =	simm.s32 $0x9;
	_ =	strace $0x80000048  }
0xb9: {  	_ =	swait.ge [sflag:s29], $0x1  }
0xba: {  	[sflag:s29] =	ssyncadd.s32 $0xFFFFFFFF  }
0xbb: {  	_ =	strace $0x90000048  }
0xbc: {  	_ =	sfence  }
0xbd: {  	s30 =	sld [smem:$0x0];
	_ =	sdelay $0x2  }
0xbe: {  	s31 =	sshll.u32 s1, $0xD;
	s1 =	sshrl.u32 s1, $0x2  }
0xbf: {  	s3 =	sand.u32 $0x4000, s31;
	s1 =	sadd.s32 s1, s30  }
0xc0: {  	s0 =	sor.u32 s3, s0;
	s1 =	sshll.u32 s1, $0x11  }
0xc1: {  	s0 =	sor.u32 s1, s0  }
0xc2: {  	s0 =	sadd.s32 $0x8F2B, s0  }
0xc3: {  	[sflag:s0] =	ssyncadd.remote.s32 $0x1  }
0xc4: {  	_ =	sfence.sel $0xFFFF  }
0xc5: {  	[dreg:$0x0] =	wrdreg $0xFFFFFFFF;
	(pc) =	sbr.abs _section_cstart, $3  }
0xc6: {  	[dreg:$0x1] =	wrdreg $0xFFFFFFFF  }
0xc7: {  	_ =	task.clear_ibuf [dreg:s9], $0x2FFFF;
	_ =	strace $0x9FFFFFFF  }
0xc8: {  	(tm) =	ssettm $0x7FFFFFFF  }
0xc9: {  	_ =	shalt  }
tec
execute0_lowered:
.L_overlay_start_1:
0x0: {  	(tag) =	ssettag $0x1  }
0x1: {  	s5 =	rddreg [dreg:$0x0]  }
0x2: {  	s8 =	rddreg [dreg:$0x1]  }
0x3: {  	s6 =	rddreg [dreg:$0x2]  }
0x4: {  	s10 =	rddreg [dreg:$0x3]  }
0x5: {  	s2 =	rddreg [dreg:$0x4]  }
0x6: {  	s3 =	rddreg [dreg:$0x5]  }
0x7: {  	s0 =	rddreg [dreg:$0x6]  }
0x8: {  	s1 =	stileid.u32;
	s7 =	srdreg.scid  }
0x9: {  	s4 =	simm.s32 $0x0;
	s19 =	simm.s32 $0x7958;
	s17 =	simm.s32 $0x2  }
0xa: {  	s20 =	simm.s32 $0x0;
	s7 =	sand.u32 $0x1, s7;
	s9 =	sshll.u32 s1, $0x1  }
0xb: {  	[smem:$0x7FF] =	sst s4;
	s29 =	sshll.u32 s1, $0x7;
	s14 =	sshll.u32 s1, $0xA  }
0xc: {  	s31 =	sshll.u32 s1, $0x6;
	s11 =	ssub.s32 $0x2, s7;
	s7 =	sor.u32 s7, s9  }
0xd: {  	_ =	strace $0x80000047;
	s13 =	sadd.s32 s29, s5;
	s15 =	sadd.s32 s14, s2  }
0xe: {  	s16 =	sadd.s32 s14, s3;
	s8 =	sadd.s32 s8, s29;
	s14 =	sor.u32 $0x1C02, s31  }
0xf: {  	s12 =	sshrl.u32 s11, $0x1;
	s18 =	smul.u32 $0x7A18, s7;
	p0 =	seq.s32 s7, $0x1F  }
0x10: {  	s7 =	sadd.s32 $0x800, s13;
	s13 =	sshrl.u32 s15, $0x3;
	s15 =	sshrl.u32 s16, $0x3  }
0x11: {  	s16 =	simm.s32 $0x1;
	s11 =	ssub.s32 s11, s12;
	s19 =	simm.s32 @!p0 $0x7A18  }
0x12: {  	s12 =	sor.u32 $0x1C01, s31;
	s30 =	sshrl.u32 s18, $0x3;
	s11 =	smax.u32 s11, $0x1  }
0x13: {  	v0 =	vmov s18;
	v1 =	vmov s19;
	s18 =	simm.s32 $0x4000;
	s19 =	simm.s32 $0x8000;
	s5 =	sadd.s32 s6, s30  }
0x14: {  	s6 =	sadd.s32 $0x1D91D, s6;
	s9 =	sadd.s32 s10, s30;
	s10 =	sadd.s32 $0x1D91D, s10  }
.LBB2_1:
0x15: {  	s21 =	simm.s32 @p0 $0x0;
	s22 =	simm.s32 @p0 $0x8000  }
0x16: {  	[tilespmem:s22], [sflag:$0x3] =	stream.linear.gather @p0 [hbm4b:s6+s21], $0x7958, $0x38;
	[tilespmem:$0x10280] =	vst v63  }
0x17: {  	s21 =	simm.s32 @!p0 $0x0;
	s22 =	simm.s32 @!p0 $0x8000  }
0x18: {  	[tilespmem:s22], [sflag:$0x3] =	stream.linear.gather @!p0 [hbm4b:s5+s21], $0x7A18, $0x38;
	[tilespmem:$0x10280] =	vst v63  }
0x19: {  	[spmem:s13], [sflag:s12] =	dma.local [hbm:s7], $0x80  }
0x1a: {  	[spmem:s15], [sflag:s14] =	dma.local [hbm:s8], $0x80  }
0x1b: {  	_ =	swait.ge [sflag:s16], $0x80  }
0x1c: {  	[sflag:s16] =	ssyncset.done $0x0  }
0x1d: {  	[sflag:s16] =	ssyncadd.s32 $0xFFFFFF80  }
0x1e: {  	_ =	swait.ge [sflag:s17], $0x80  }
0x1f: {  	[sflag:s17] =	ssyncset.done $0x0  }
0x20: {  	[sflag:s17] =	ssyncadd.s32 $0xFFFFFF80  }
0x21: {  	[bflag:$0x0] =	sbarrier.arrive $0xFFFF  }
0x22: {  	[tilespmem:s4], [sflag:$0x1] =	stream.linear.gather [spmem:s2], $0x4000, $0x38;
	[tilespmem:$0x10280] =	vst v63  }
0x23: {  	_ = 	snop  }
0x24: {  	[tilespmem:s18], [sflag:$0x2] =	stream.linear.gather [spmem:s3], $0x4000, $0x38;
	[tilespmem:$0x10280] =	vst v63  }
0x25: {  	_ =	swait.ge [sflag:s16], $0x4000  }
0x26: {  	[sflag:s16] =	ssyncset.done $0x0  }
0x27: {  	[sflag:s16] =	ssyncadd.s32 $0xFFFFC000  }
0x28: {  	_ =	swait.ge [sflag:s17], $0x4000  }
0x29: {  	[sflag:s17] =	ssyncset.done $0x0  }
0x2a: {  	s21 =	simm.s32 @p0 $0x3;
	[sflag:s17] =	ssyncadd.s32 $0xFFFFC000  }
0x2b: {  	_ =	swait.ge @p0 [sflag:s21], $0x7958  }
0x2c: {  	[sflag:s21] =	ssyncset.done @p0 $0x0  }
0x2d: {  	[sflag:s21] =	ssyncadd.s32 @p0 $0xFFFF86A8;
	s21 =	simm.s32 @!p0 $0x3  }
0x2e: {  	_ =	swait.ge @!p0 [sflag:s21], $0x7A18  }
0x2f: {  	[sflag:s21] =	ssyncset.done @!p0 $0x0  }
0x30: {  	[sflag:s21] =	ssyncadd.s32 @!p0 $0xFFFF85E8;
	s21 =	simm.s32 $0x0  }
0x31: {  	v2 =	vld [tilespmem:s21+$0x10]  }
0x32: {  	v3 =	vld [tilespmem:s21+$0xE0]  }
0x33: {  	v4 =	vld [tilespmem:s21+$0xD0]  }
0x34: {  	v5 =	vld [tilespmem:s21+$0xC0]  }
0x35: {  	v7 =	vld [tilespmem:s21+$0x0]  }
0x36: {  	v6 =	vld [tilespmem:s21+$0xA0]  }
0x37: {  	v8 =	vld [tilespmem:s21+$0xB0]  }
0x38: {  	v9 =	vld [tilespmem:s21+$0x4000]  }
0x39: {  	v10 =	vld [tilespmem:s21+$0x50]  }
0x3a: {  	v11 =	vld [tilespmem:s21+$0x40];
	v7 =	vsub.s32 v7, v0  }
0x3b: {  	v12 =	vld [tilespmem:s21+$0x30];
	vm0 =	vlt.u32 v7, v1  }
0x3c: {  	v13 =	vld [tilespmem:s21+$0x20]  }
0x3d: {  	v14 =	vld [tilespmem:s21+$0x90]  }
0x3e: {  	v15 =	vld [tilespmem:s21+$0x80]  }
0x3f: {  	v16 =	vld [tilespmem:s21+$0x70]  }
0x40: {  	v17 =	vld [tilespmem:s21+$0x60];
	v2 =	vsub.s32 v2, v0  }
0x41: {  	v18 =	vld [tilespmem:s21+$0xF0];
	vm1 =	vlt.u32 v2, v1;
	[tilespmem:v7+s19+$0x0] =	vst.idx.msk vm0, v9  }
0x42: {  	v7 =	vld [tilespmem:s21+$0x4010];
	_ =	sdelay $0x3  }
0x43: {  	v55 =	vsub.s32 v13, v0  }
0x44: {  	vm0 =	vlt.u32 v55, v1;
	[tilespmem:v2+s19+$0x0] =	vst.idx.msk vm1, v7  }
0x45: {  	v2 =	vld [tilespmem:s21+$0x4020];
	_ =	sdelay $0x3  }
0x46: {  	v56 =	vsub.s32 v12, v0  }
0x47: {  	vm1 =	vlt.u32 v56, v1;
	[tilespmem:v55+s19+$0x0] =	vst.idx.msk vm0, v2  }
0x48: {  	v2 =	vld [tilespmem:s21+$0x4030];
	_ =	sdelay $0x3  }
0x49: {  	v57 =	vsub.s32 v11, v0  }
0x4a: {  	vm0 =	vlt.u32 v57, v1;
	[tilespmem:v56+s19+$0x0] =	vst.idx.msk vm1, v2  }
0x4b: {  	v2 =	vld [tilespmem:s21+$0x4040];
	_ =	sdelay $0x3  }
0x4c: {  	v58 =	vsub.s32 v10, v0  }
0x4d: {  	vm1 =	vlt.u32 v58, v1;
	[tilespmem:v57+s19+$0x0] =	vst.idx.msk vm0, v2  }
0x4e: {  	v2 =	vld [tilespmem:s21+$0x4050];
	_ =	sdelay $0x3  }
0x4f: {  	v59 =	vsub.s32 v17, v0  }
0x50: {  	vm0 =	vlt.u32 v59, v1;
	[tilespmem:v58+s19+$0x0] =	vst.idx.msk vm1, v2  }
0x51: {  	v2 =	vld [tilespmem:s21+$0x4060];
	_ =	sdelay $0x3  }
0x52: {  	v60 =	vsub.s32 v16, v0  }
0x53: {  	vm1 =	vlt.u32 v60, v1;
	[tilespmem:v59+s19+$0x0] =	vst.idx.msk vm0, v2  }
0x54: {  	v2 =	vld [tilespmem:s21+$0x4070];
	_ =	sdelay $0x3  }
0x55: {  	v61 =	vsub.s32 v15, v0  }
0x56: {  	vm0 =	vlt.u32 v61, v1;
	[tilespmem:v60+s19+$0x0] =	vst.idx.msk vm1, v2  }
0x57: {  	v2 =	vld [tilespmem:s21+$0x4080];
	_ =	sdelay $0x3  }
0x58: {  	v62 =	vsub.s32 v14, v0  }
0x59: {  	vm1 =	vlt.u32 v62, v1;
	[tilespmem:v61+s19+$0x0] =	vst.idx.msk vm0, v2  }
0x5a: {  	v2 =	vld [tilespmem:s21+$0x4090];
	_ =	sdelay $0x3  }
0x5b: {  	v6 =	vsub.s32 v6, v0  }
0x5c: {  	vm0 =	vlt.u32 v6, v1;
	[tilespmem:v62+s19+$0x0] =	vst.idx.msk vm1, v2  }
0x5d: {  	v2 =	vld [tilespmem:s21+$0x40A0];
	_ =	sdelay $0x3  }
0x5e: {  	v63 =	vsub.s32 v8, v0  }
0x5f: {  	vm1 =	vlt.u32 v63, v1;
	[tilespmem:v6+s19+$0x0] =	vst.idx.msk vm0, v2  }
0x60: {  	v2 =	vld [tilespmem:s21+$0x40B0];
	_ =	sdelay $0x3  }
0x61: {  	v5 =	vsub.s32 v5, v0  }
0x62: {  	vm0 =	vlt.u32 v5, v1;
	[tilespmem:v63+s19+$0x0] =	vst.idx.msk vm1, v2  }
0x63: {  	v2 =	vld [tilespmem:s21+$0x40C0];
	_ =	sdelay $0x3  }
0x64: {  	v4 =	vsub.s32 v4, v0  }
0x65: {  	vm1 =	vlt.u32 v4, v1;
	[tilespmem:v5+s19+$0x0] =	vst.idx.msk vm0, v2  }
0x66: {  	v2 =	vld [tilespmem:s21+$0x40D0];
	_ =	sdelay $0x3  }
0x67: {  	v3 =	vsub.s32 v3, v0  }
0x68: {  	vm2 =	vlt.u32 v3, v1;
	[tilespmem:v4+s19+$0x0] =	vst.idx.msk vm1, v2  }
0x69: {  	v4 =	vld [tilespmem:s21+$0x40E0];
	_ =	sdelay $0x3  }
0x6a: {  	v2 =	vsub.s32 v18, v0  }
0x6b: {  	s22 =	simm.s32 $0x400;
	vm0 =	vlt.u32 v2, v1;
	[tilespmem:v3+s19+$0x0] =	vst.idx.msk vm2, v4  }
.LBB2_2:
0x6c: {  	p1 =	sne.s32 s22, $0xFC00;
	v3 =	vld [tilespmem:s21+$0x40F0];
	s21 =	smov.u32 s22;
	s22 =	sadd.s32 $0x400, s22  }
0x6d: {  	_ =	sdelay $0x3  }
0x6e: {  	s21 =	sshra.s32 s21, $0x2;
	[tilespmem:v2+s19+$0x0] =	vst.idx.msk vm0, v3  }
0x6f: {  	v5 =	vld [tilespmem:s21+$0x10]  }
0x70: {  	v2 =	vld [tilespmem:s21+$0xE0]  }
0x71: {  	v3 =	vld [tilespmem:s21+$0xD0]  }
0x72: {  	v4 =	vld [tilespmem:s21+$0xC0]  }
0x73: {  	v6 =	vld [tilespmem:s21+$0xA0]  }
0x74: {  	v7 =	vld [tilespmem:s21+$0x0]  }
0x75: {  	v8 =	vld [tilespmem:s21+$0xB0]  }
0x76: {  	v9 =	vld [tilespmem:s21+$0x4000]  }
0x77: {  	v10 =	vld [tilespmem:s21+$0x50]  }
0x78: {  	v11 =	vld [tilespmem:s21+$0x40]  }
0x79: {  	v7 =	vsub.s32 v7, v0;
	v12 =	vld [tilespmem:s21+$0x30]  }
0x7a: {  	vm0 =	vlt.u32 v7, v1;
	v13 =	vld [tilespmem:s21+$0x20]  }
0x7b: {  	v14 =	vld [tilespmem:s21+$0x90]  }
0x7c: {  	v15 =	vld [tilespmem:s21+$0x80]  }
0x7d: {  	v16 =	vld [tilespmem:s21+$0x70]  }
0x7e: {  	v17 =	vsub.s32 v5, v0;
	v18 =	vld [tilespmem:s21+$0x60]  }
0x7f: {  	vm1 =	vlt.u32 v17, v1;
	v5 =	vld [tilespmem:s21+$0xF0]  }
0x80: {  	[tilespmem:v7+s19+$0x0] =	vst.idx.msk vm0, v9  }
0x81: {  	v7 =	vld [tilespmem:s21+$0x4010];
	_ =	sdelay $0x2  }
0x82: {  	v9 =	vsub.s32 v13, v0  }
0x83: {  	vm0 =	vlt.u32 v9, v1  }
0x84: {  	[tilespmem:v17+s19+$0x0] =	vst.idx.msk vm1, v7  }
0x85: {  	v7 =	vld [tilespmem:s21+$0x4020];
	_ =	sdelay $0x2  }
0x86: {  	v12 =	vsub.s32 v12, v0  }
0x87: {  	vm1 =	vlt.u32 v12, v1  }
0x88: {  	[tilespmem:v9+s19+$0x0] =	vst.idx.msk vm0, v7  }
0x89: {  	v7 =	vld [tilespmem:s21+$0x4030];
	_ =	sdelay $0x2  }
0x8a: {  	v9 =	vsub.s32 v11, v0  }
0x8b: {  	vm0 =	vlt.u32 v9, v1  }
0x8c: {  	[tilespmem:v12+s19+$0x0] =	vst.idx.msk vm1, v7  }
0x8d: {  	v7 =	vld [tilespmem:s21+$0x4040];
	_ =	sdelay $0x2  }
0x8e: {  	v10 =	vsub.s32 v10, v0  }
0x8f: {  	vm1 =	vlt.u32 v10, v1  }
0x90: {  	[tilespmem:v9+s19+$0x0] =	vst.idx.msk vm0, v7  }
0x91: {  	v7 =	vld [tilespmem:s21+$0x4050];
	_ =	sdelay $0x2  }
0x92: {  	v9 =	vsub.s32 v18, v0  }
0x93: {  	vm0 =	vlt.u32 v9, v1  }
0x94: {  	[tilespmem:v10+s19+$0x0] =	vst.idx.msk vm1, v7  }
0x95: {  	v7 =	vld [tilespmem:s21+$0x4060];
	_ =	sdelay $0x2  }
0x96: {  	v10 =	vsub.s32 v16, v0  }
0x97: {  	vm1 =	vlt.u32 v10, v1  }
0x98: {  	[tilespmem:v9+s19+$0x0] =	vst.idx.msk vm0, v7  }
0x99: {  	v7 =	vld [tilespmem:s21+$0x4070];
	_ =	sdelay $0x2  }
0x9a: {  	v9 =	vsub.s32 v15, v0  }
0x9b: {  	vm0 =	vlt.u32 v9, v1  }
0x9c: {  	[tilespmem:v10+s19+$0x0] =	vst.idx.msk vm1, v7  }
0x9d: {  	v7 =	vld [tilespmem:s21+$0x4080];
	_ =	sdelay $0x2  }
0x9e: {  	v10 =	vsub.s32 v14, v0  }
0x9f: {  	vm1 =	vlt.u32 v10, v1  }
0xa0: {  	[tilespmem:v9+s19+$0x0] =	vst.idx.msk vm0, v7  }
0xa1: {  	v7 =	vld [tilespmem:s21+$0x4090];
	_ =	sdelay $0x2  }
0xa2: {  	v6 =	vsub.s32 v6, v0  }
0xa3: {  	vm0 =	vlt.u32 v6, v1  }
0xa4: {  	[tilespmem:v10+s19+$0x0] =	vst.idx.msk vm1, v7  }
0xa5: {  	v7 =	vld [tilespmem:s21+$0x40A0];
	_ =	sdelay $0x2  }
0xa6: {  	v8 =	vsub.s32 v8, v0  }
0xa7: {  	vm1 =	vlt.u32 v8, v1  }
0xa8: {  	[tilespmem:v6+s19+$0x0] =	vst.idx.msk vm0, v7  }
0xa9: {  	v6 =	vld [tilespmem:s21+$0x40B0];
	_ =	sdelay $0x2  }
0xaa: {  	v4 =	vsub.s32 v4, v0  }
0xab: {  	vm0 =	vlt.u32 v4, v1  }
0xac: {  	[tilespmem:v8+s19+$0x0] =	vst.idx.msk vm1, v6  }
0xad: {  	v6 =	vld [tilespmem:s21+$0x40C0];
	_ =	sdelay $0x2  }
0xae: {  	v3 =	vsub.s32 v3, v0  }
0xaf: {  	vm1 =	vlt.u32 v3, v1  }
0xb0: {  	[tilespmem:v4+s19+$0x0] =	vst.idx.msk vm0, v6  }
0xb1: {  	v4 =	vld [tilespmem:s21+$0x40D0];
	_ =	sdelay $0x2  }
0xb2: {  	v6 =	vsub.s32 v2, v0  }
0xb3: {  	vm2 =	vlt.u32 v6, v1  }
0xb4: {  	[tilespmem:v3+s19+$0x0] =	vst.idx.msk vm1, v4  }
0xb5: {  	v3 =	vld [tilespmem:s21+$0x40E0]  }
.Ltmp0:
0xb6: {  	(pc) =	sbr.rel @p1 .LBB2_2-.Ltmp0, $4  }
0xb7: {  	_ = 	snop  }
0xb8: {  	v2 =	vsub.s32 v5, v0  }
0xb9: {  	vm0 =	vlt.u32 v2, v1  }
0xba: {  	[tilespmem:v6+s19+$0x0] =	vst.idx.msk vm2, v3  }
0xbb: {  	v3 =	vld [tilespmem:s21+$0x40F0];
	_ =	sdelay $0x4  }
0xbc: {  	s21 =	simm.s32 @p0 $0x0;
	s22 =	simm.s32 @p0 $0x8000;
	[tilespmem:v2+s19+$0x0] =	vst.idx.msk vm0, v3  }
0xbd: {  	[hbm4b:s10+s21] =	stream.linear.scatter @p0 [tilespmem:s22], [sflag:$0x4], $0x7958, $0x38;
	[tilespmem:$0x10280] =	vst v63  }
0xbe: {  	s21 =	simm.s32 @p0 $0x4  }
0xbf: {  	s20 =	sadd.s32 $0x1, s20;
	_ =	swait.ge @p0 [sflag:s21], $0x7958  }
0xc0: {  	p1 =	sne.s32 s20, s11;
	[sflag:s21] =	ssyncset.done @p0 $0x0  }
0xc1: {  	s22 =	simm.s32 @!p0 $0x8000;
	[sflag:s21] =	ssyncadd.s32 @p0 $0xFFFF86A8;
	s21 =	simm.s32 @!p0 $0x0  }
0xc2: {  	[hbm4b:s9+s21] =	stream.linear.scatter @!p0 [tilespmem:s22], [sflag:$0x4], $0x7A18, $0x38;
	[tilespmem:$0x10280] =	vst v63  }
.Ltmp1:
0xc3: {  	_ = 	snop;
	(pc) =	sbr.rel @p1 .LBB2_1-.Ltmp1, $4  }
0xc4: {  	s21 =	simm.s32 @!p0 $0x4  }
0xc5: {  	_ =	swait.ge @!p0 [sflag:s21], $0x7A18  }
0xc6: {  	[sflag:s21] =	ssyncset.done @!p0 $0x0  }
0xc7: {  	[sflag:s21] =	ssyncadd.s32 @!p0 $0xFFFF85E8  }
0xc8: {  	_ =	sfence.sel $0x180000  }
0xc9: {  	[bflag:$0x0] =	sbarrier.arrive $0xFFFF  }
0xca: {  	p0 =	sne.s32 s1, $0x0;
	_ =	strace $0x90000047  }
0xcb: {  	s0 =	sadd.s32 @!p0 $0x100000, s0;
	[bflag:$0x2] =	sbarrier.arrive $0xFFFF  }
0xcc: {  	[sflag:s0] =	ssyncadd.tile.s32 @!p0 $0x1;
	_ =	shalt  }
.Lfunc_end2:
_tile_overlayer_lowered:
.L_overlay_start_2:
0xcd: {  	(tag) =	ssettag $0x2  }
0xce: {  	s0 =	rddreg [dreg:$0x0];
	s2 =	stileid.u32  }
0xcf: {  	s1 =	rddreg [dreg:$0x1];
	p0 =	sne.s32 s2, $0x0  }
0xd0: {  	s3 =	rddreg [dreg:$0x2];
	[bflag:$0x3] =	sbarrier.arrive $0xFFFF;
	s2 =	simm.s32 @!p0 $0x1C04  }
0xd1: {  	[timem:s3], [sflag:s2] =	dma.local @!p0 [hbm:s0], s1  }
0xd2: {  	s0 =	simm.s32 @!p0 $0x4  }
0xd3: {  	_ =	swait.ge @!p0 [sflag:s0], s1  }
0xd4: {  	s1 =	ssub.s32 @!p0 $0x0, s1;
	[sflag:s0] =	ssyncset.done @!p0 $0x0  }
0xd5: {  	[sflag:s0] =	ssyncadd.s32 @!p0 s1  }
0xd6: {  	[bflag:$0x3] =	sbarrier.arrive $0xFFFF  }
0xd7: {  	_ =	shalt  }

</sc_bundles>
